<compile_context>
chip_gen: v7x
topology: tpu7x:2x2x1
jax: 0.10.2.dev20260603
libtpu: 0.0.44.dev20260713+nightly
codegen_flags: <defaults>
</compile_context>

<pallas_src>
import dataclasses

import jax
import jax.numpy as jnp
from jax import lax
from jax.experimental import pallas as pl
from jax.experimental.pallas import tpu as pltpu
from jax.experimental.pallas import tpu_sc as plsc

N = 10000
E = 320000
D = 128
NC = 2
NS = 16
CH = 128
ET = E // (NC * NS)
NCHUNK = -(-ET // CH)
R = 10240
RPT = R // NS
TRASH = N

_MESH = plsc.VectorSubcoreMesh(
    core_axis_name="c", subcore_axis_name="s", num_cores=NC, num_subcores=NS
)

_CP = pltpu.CompilerParams()
if "needs_layout_passes" in pltpu.CompilerParams.__dataclass_fields__:
    _CP = dataclasses.replace(_CP, needs_layout_passes=False)


def _deg_body(dstp_hbm, zero_hbm, deg_hbm, dst_v, deg_v, slab_v, res_v,
              stage_sh):
    c = lax.axis_index("c")
    s = lax.axis_index("s")
    pltpu.sync_copy(zero_hbm, deg_v)
    pltpu.sync_copy(dstp_hbm.at[c].at[s], dst_v)
    ones = jnp.ones((16,), jnp.float32)

    @pl.loop(0, NCHUNK)
    def _(j):
        @pl.loop(0, CH // 16)
        def _(k):
            idx = dst_v[j, pl.ds(k * 16, 16)]
            plsc.addupdate_scatter(deg_v, [idx], ones)

    pltpu.sync_copy(deg_v, stage_sh.at[s])
    plsc.subcore_barrier()
    pltpu.sync_copy(stage_sh.at[:, pl.ds(s * RPT, RPT)], slab_v)

    @pl.loop(0, RPT // 16)
    def _(i):
        tot = jnp.zeros((16,), jnp.float32)
        for r in range(NS):
            tot = tot + slab_v[r, pl.ds(i * 16, 16)]
        res_v[pl.ds(i * 16, 16)] = tot

    pltpu.sync_copy(res_v, deg_hbm.at[pl.ds(c * R + s * RPT, RPT)])


def _deg_sc(dstp, zeroR):
    return pl.kernel(
        _deg_body,
        out_type=jax.ShapeDtypeStruct((NC * R,), jnp.float32),
        mesh=_MESH,
        scratch_types=[
            pltpu.VMEM((NCHUNK, CH), jnp.int32),
            pltpu.VMEM((R,), jnp.float32),
            pltpu.VMEM((NS, RPT), jnp.float32),
            pltpu.VMEM((RPT,), jnp.float32),
            pltpu.VMEM_SHARED((NS, R), jnp.float32),
        ],
        compiler_params=_CP,
    )(dstp, zeroR)


def _msg_body(g_hbm, srcp_hbm, dstp_hbm, zero_hbm, part_hbm,
              src_v, dst_v, rows_v, acc_sh):
    c = lax.axis_index("c")
    s = lax.axis_index("s")
    pltpu.sync_copy(zero_hbm, acc_sh.at[pl.ds(s * RPT, RPT)])
    pltpu.sync_copy(srcp_hbm.at[c].at[s], src_v)
    pltpu.sync_copy(dstp_hbm.at[c].at[s], dst_v)
    plsc.subcore_barrier()

    @pl.loop(0, NCHUNK)
    def _(j):
        pltpu.sync_copy(g_hbm.at[src_v.at[j]], rows_v)
        pltpu.sync_copy(rows_v, acc_sh.at[dst_v.at[j]], add=True)

    plsc.subcore_barrier()
    sl = pl.ds(s * RPT, RPT)
    pltpu.sync_copy(acc_sh.at[sl], part_hbm.at[c].at[sl])


def _msg_sc(g, srcp, dstp, zero):
    return pl.kernel(
        _msg_body,
        out_type=jax.ShapeDtypeStruct((NC, R, D), jnp.float32),
        mesh=_MESH,
        scratch_types=[
            pltpu.VMEM((NCHUNK, CH), jnp.int32),
            pltpu.VMEM((NCHUNK, CH), jnp.int32),
            pltpu.VMEM((CH, D), jnp.float32),
            pltpu.VMEM_SHARED((R, D), jnp.float32),
        ],
    )(g, srcp, dstp, zero)


BR = 1000


def _mm_body(x_ref, w_ref, o_ref):
    o_ref[...] = jnp.dot(x_ref[...], w_ref[...],
                         preferred_element_type=jnp.float32)


def _mm_tc(x, w):
    return pl.pallas_call(
        _mm_body,
        grid=(N // BR,),
        in_specs=[
            pl.BlockSpec((BR, D), lambda i: (i, 0)),
            pl.BlockSpec((D, D), lambda i: (0, 0)),
        ],
        out_specs=pl.BlockSpec((BR, D), lambda i: (i, 0)),
        out_shape=jax.ShapeDtypeStruct((N, D), jnp.float32),
    )(x, w)


def _dinv_deg(dp):
    deg = dp[0] + dp[1] + 1.0
    return lax.rsqrt(deg), deg


def _scale_body(h_ref, dp_ref, g_ref):
    dinv, _ = _dinv_deg(dp_ref[...])
    g_ref[...] = h_ref[...] * dinv


def _scale_tc(h, degp):
    return pl.pallas_call(
        _scale_body,
        grid=(N // BR,),
        in_specs=[
            pl.BlockSpec((BR, D), lambda i: (i, 0)),
            pl.BlockSpec((NC, BR, 1), lambda i: (0, i, 0)),
        ],
        out_specs=pl.BlockSpec((BR, D), lambda i: (i, 0)),
        out_shape=jax.ShapeDtypeStruct((N, D), jnp.float32),
    )(h, degp)


def _mid_body(p_ref, h_ref, dp_ref, b_ref, w_ref, hn_ref, g_ref):
    dinv, deg = _dinv_deg(dp_ref[...])
    out = dinv * (p_ref[0] + p_ref[1]) + h_ref[...] / deg + b_ref[...]
    hn = jnp.dot(jnp.maximum(out, 0.0), w_ref[...],
                 preferred_element_type=jnp.float32)
    hn_ref[...] = hn
    g_ref[...] = hn * dinv


def _mid_tc(part, h, degp, b, w):
    return pl.pallas_call(
        _mid_body,
        grid=(N // BR,),
        in_specs=[
            pl.BlockSpec((NC, BR, D), lambda i: (0, i, 0)),
            pl.BlockSpec((BR, D), lambda i: (i, 0)),
            pl.BlockSpec((NC, BR, 1), lambda i: (0, i, 0)),
            pl.BlockSpec((1, D), lambda i: (0, 0)),
            pl.BlockSpec((D, D), lambda i: (0, 0)),
        ],
        out_specs=[
            pl.BlockSpec((BR, D), lambda i: (i, 0)),
            pl.BlockSpec((BR, D), lambda i: (i, 0)),
        ],
        out_shape=[
            jax.ShapeDtypeStruct((N, D), jnp.float32),
            jax.ShapeDtypeStruct((N, D), jnp.float32),
        ],
    )(part, h, degp, b, w)


def _fin_body(p_ref, h_ref, dp_ref, b_ref, o_ref):
    dinv, deg = _dinv_deg(dp_ref[...])
    o_ref[...] = dinv * (p_ref[0] + p_ref[1]) + h_ref[...] / deg + b_ref[...]


def _fin_tc(part, h, degp, b):
    return pl.pallas_call(
        _fin_body,
        grid=(N // BR,),
        in_specs=[
            pl.BlockSpec((NC, BR, D), lambda i: (0, i, 0)),
            pl.BlockSpec((BR, D), lambda i: (i, 0)),
            pl.BlockSpec((NC, BR, 1), lambda i: (0, i, 0)),
            pl.BlockSpec((1, D), lambda i: (0, 0)),
        ],
        out_specs=pl.BlockSpec((BR, D), lambda i: (i, 0)),
        out_shape=jax.ShapeDtypeStruct((N, D), jnp.float32),
    )(part, h, degp, b)


def kernel(x, edge_index, W0, b0, W1, b1, W2, b2):
    src = edge_index[0].reshape(NC, NS, ET)
    dst = edge_index[1].reshape(NC, NS, ET)
    pad = NCHUNK * CH - ET
    srcp = jnp.pad(src, ((0, 0), (0, 0), (0, pad))).reshape(NC, NS, NCHUNK, CH)
    trash = TRASH + (jnp.arange(pad, dtype=jnp.int32) % (R - N))
    dstp = jnp.concatenate(
        [dst, jnp.broadcast_to(trash, (NC, NS, pad))], axis=2
    ).reshape(NC, NS, NCHUNK, CH)

    zeroR = jnp.zeros((R,), jnp.float32)
    zeroD = jnp.zeros((RPT, D), jnp.float32)

    degp = _deg_sc(dstp, zeroR).reshape(NC, R, 1)
    h = _mm_tc(x, W0)
    g = _scale_tc(h, degp)
    for b, W in ((b0, W1), (b1, W2)):
        part = _msg_sc(g, srcp, dstp, zeroD)
        h, g = _mid_tc(part, h, degp, b.reshape(1, D), W)
    part = _msg_sc(g, srcp, dstp, zeroD)
    return _fin_tc(part, h, degp, b2.reshape(1, D))

# --- scband reference (transcript-rebuilt; emitter-appended) ---
"""Pipeline reference for scband-gcnencoder-22273700397754 (READ-ONLY COPY).

The authoritative reference and input builder live on the scoring server;
editing this copy changes nothing except your own understanding.
"""

import jax, jax.numpy as jnp
import numpy as np

N = 10000
E = 320000
D_IN = 128
D_MODEL = 128


def gcn_conv(x, edge_index, W, b):
    # Faithful PyG GCNConv with add_self_loops=True and symmetric normalization:
    # out = D^{-1/2} (A + I) D^{-1/2} X W + b
    n = x.shape[0]
    src = edge_index[0]
    dst = edge_index[1]
    loop = jnp.arange(n, dtype=src.dtype)
    src = jnp.concatenate([src, loop])
    dst = jnp.concatenate([dst, loop])
    deg = jnp.zeros((n,), dtype=x.dtype).at[dst].add(1.0)
    dinv = jnp.where(deg > 0, 1.0 / jnp.sqrt(deg), 0.0)
    norm = dinv[src] * dinv[dst]
    h = x @ W
    msg = h[src] * norm[:, None]
    out = jnp.zeros((n, h.shape[1]), dtype=x.dtype).at[dst].add(msg)
    return out + b


def setup_inputs(seed: int = 0) -> dict:
    key = jax.random.key(seed)
    ks = jax.random.split(key, 8)
    x = jax.random.normal(ks[0], (N, D_IN), dtype=jnp.float32)
    edge_index = jax.random.randint(ks[1], (2, E), 0, N, dtype=jnp.int32)
    W0 = jax.random.normal(ks[2], (D_IN, D_MODEL), dtype=jnp.float32) * (1.0 / np.sqrt(D_IN))
    b0 = jnp.zeros((D_MODEL,), dtype=jnp.float32)
    W1 = jax.random.normal(ks[3], (D_MODEL, D_MODEL), dtype=jnp.float32) * (1.0 / np.sqrt(D_MODEL))
    b1 = jnp.zeros((D_MODEL,), dtype=jnp.float32)
    W2 = jax.random.normal(ks[4], (D_MODEL, D_MODEL), dtype=jnp.float32) * (1.0 / np.sqrt(D_MODEL))
    b2 = jnp.zeros((D_MODEL,), dtype=jnp.float32)
    return {"x": x, "edge_index": edge_index, "W0": W0, "b0": b0, "W1": W1, "b1": b1, "W2": W2, "b2": b2}


def reference(x, edge_index, W0, b0, W1, b1, W2, b2):
    # GCNEncoder.forward: first_layer, then (relu -> conv) for the remaining n_conv-1 layers
    h = gcn_conv(x, edge_index, W0, b0)
    for W, b in ((W1, b1), (W2, b2)):
        h = jax.nn.relu(h)
        h = gcn_conv(h, edge_index, W, b)
    return h

if __name__ == "__main__":
    import jax
    _d = setup_inputs()
    print(jax.jit(kernel)(*tuple(_d.values())))

</pallas_src>

<mosaic_0001>
#map = affine_map<(d0, d1) -> (0, 0, 0, 0)>
#map1 = affine_map<(d0, d1) -> (0)>
module attributes {stable_mosaic.version = 14 : i64} {
  func.func @_deg_body(%arg0: i32, %arg1: i32, %arg2: memref<2x16x79x128xi32, #tpu.memory_space<hbm>>, %arg3: memref<10240xf32, #tpu.memory_space<hbm>>, %arg4: memref<20480xf32, #tpu.memory_space<hbm>>, %arg5: memref<79x128xi32, #tpu.memory_space<vmem>>, %arg6: memref<10240xf32, #tpu.memory_space<vmem>>, %arg7: memref<16x640xf32, #tpu.memory_space<vmem>>, %arg8: memref<640xf32, #tpu.memory_space<vmem>>, %arg9: memref<16x10240xf32, #tpu.memory_space<vmem_shared>>) attributes {dimension_semantics = [#tpu.dimension_semantics<core_parallel>, #tpu.dimension_semantics<subcore_parallel>], iteration_bounds = array<i64: 2, 16>, scalar_prefetch = 0 : i64, scratch_operands = 5 : i64, tpu.core_type = #tpu.core_type<sc_vector_subcore>, window_params = [{transform_indices = #map}, {transform_indices = #map1}, {transform_indices = #map1}]} {
    "tpu.region"() ({
      %run_scoped3A = tpu.sem_alloc : memref<!tpu.dma_semaphore, #tpu.memory_space<semaphore_mem>>
      tpu.enqueue_dma source(%arg3 : memref<10240xf32, #tpu.memory_space<hbm>>) target(%arg6 : memref<10240xf32, #tpu.memory_space<vmem>>) target_semaphore(%run_scoped3A : memref<!tpu.dma_semaphore, #tpu.memory_space<semaphore_mem>>)
      tpu.wait_dma2 semaphore(%run_scoped3A : memref<!tpu.dma_semaphore, #tpu.memory_space<semaphore_mem>>) src(%arg3 : memref<10240xf32, #tpu.memory_space<hbm>>) dst(%arg6 : memref<10240xf32, #tpu.memory_space<vmem>>)
      tpu.yield
    }) : () -> ()
    "tpu.region"() ({
      %run_scoped3A = tpu.sem_alloc : memref<!tpu.dma_semaphore, #tpu.memory_space<semaphore_mem>>
      %dma_start3A = arith.constant 0 : i32
      %dma_start3A_15 = arith.constant 0 : i32
      %dma_start3A_16 = arith.constant 0 : i32
      %dma_start3A_17 = tpu.memref_slice %arg2[%arg0, %dma_start3A, %dma_start3A_15, %dma_start3A_16] : memref<2x16x79x128xi32, #tpu.memory_space<hbm>> -> memref<1x16x79x128xi32, #tpu.memory_space<hbm>>
      %dma_start3A_18 = tpu.memref_squeeze %dma_start3A_17 : memref<1x16x79x128xi32, #tpu.memory_space<hbm>> -> memref<16x79x128xi32, #tpu.memory_space<hbm>>
      %dma_start3A_19 = arith.constant 0 : i32
      %dma_start3A_20 = arith.constant 0 : i32
      %dma_start3A_21 = tpu.memref_slice %dma_start3A_18[%arg1, %dma_start3A_19, %dma_start3A_20] : memref<16x79x128xi32, #tpu.memory_space<hbm>> -> memref<1x79x128xi32, #tpu.memory_space<hbm>>
      %dma_start3A_22 = tpu.memref_squeeze %dma_start3A_21 : memref<1x79x128xi32, #tpu.memory_space<hbm>> -> memref<79x128xi32, #tpu.memory_space<hbm>>
      %dma_start3A_23 = arith.constant 0 : i32
      %dma_start3A_24 = arith.constant 0 : i32
      %dma_start3A_25 = arith.constant 0 : i32
      %dma_start3A_26 = tpu.memref_slice %arg2[%arg0, %dma_start3A_23, %dma_start3A_24, %dma_start3A_25] : memref<2x16x79x128xi32, #tpu.memory_space<hbm>> -> memref<1x16x79x128xi32, #tpu.memory_space<hbm>>
      %dma_start3A_27 = tpu.memref_squeeze %dma_start3A_26 : memref<1x16x79x128xi32, #tpu.memory_space<hbm>> -> memref<16x79x128xi32, #tpu.memory_space<hbm>>
      %dma_start3A_28 = arith.constant 0 : i32
      %dma_start3A_29 = arith.constant 0 : i32
      %dma_start3A_30 = tpu.memref_slice %dma_start3A_27[%arg1, %dma_start3A_28, %dma_start3A_29] : memref<16x79x128xi32, #tpu.memory_space<hbm>> -> memref<1x79x128xi32, #tpu.memory_space<hbm>>
      %dma_start3A_31 = tpu.memref_squeeze %dma_start3A_30 : memref<1x79x128xi32, #tpu.memory_space<hbm>> -> memref<79x128xi32, #tpu.memory_space<hbm>>
      tpu.enqueue_dma source(%dma_start3A_31 : memref<79x128xi32, #tpu.memory_space<hbm>>) target(%arg5 : memref<79x128xi32, #tpu.memory_space<vmem>>) target_semaphore(%run_scoped3A : memref<!tpu.dma_semaphore, #tpu.memory_space<semaphore_mem>>)
      %dma_wait3A = arith.constant 0 : i32
      %dma_wait3A_32 = arith.constant 0 : i32
      %dma_wait3A_33 = arith.constant 0 : i32
      %dma_wait3A_34 = tpu.memref_slice %arg2[%arg0, %dma_wait3A, %dma_wait3A_32, %dma_wait3A_33] : memref<2x16x79x128xi32, #tpu.memory_space<hbm>> -> memref<1x16x79x128xi32, #tpu.memory_space<hbm>>
      %dma_wait3A_35 = tpu.memref_squeeze %dma_wait3A_34 : memref<1x16x79x128xi32, #tpu.memory_space<hbm>> -> memref<16x79x128xi32, #tpu.memory_space<hbm>>
      %dma_wait3A_36 = arith.constant 0 : i32
      %dma_wait3A_37 = arith.constant 0 : i32
      %dma_wait3A_38 = tpu.memref_slice %dma_wait3A_35[%arg1, %dma_wait3A_36, %dma_wait3A_37] : memref<16x79x128xi32, #tpu.memory_space<hbm>> -> memref<1x79x128xi32, #tpu.memory_space<hbm>>
      %dma_wait3A_39 = tpu.memref_squeeze %dma_wait3A_38 : memref<1x79x128xi32, #tpu.memory_space<hbm>> -> memref<79x128xi32, #tpu.memory_space<hbm>>
      %dma_wait3A_40 = arith.constant 0 : i32
      %dma_wait3A_41 = arith.constant 0 : i32
      %dma_wait3A_42 = arith.constant 0 : i32
      %dma_wait3A_43 = tpu.memref_slice %arg2[%arg0, %dma_wait3A_40, %dma_wait3A_41, %dma_wait3A_42] : memref<2x16x79x128xi32, #tpu.memory_space<hbm>> -> memref<1x16x79x128xi32, #tpu.memory_space<hbm>>
      %dma_wait3A_44 = tpu.memref_squeeze %dma_wait3A_43 : memref<1x16x79x128xi32, #tpu.memory_space<hbm>> -> memref<16x79x128xi32, #tpu.memory_space<hbm>>
      %dma_wait3A_45 = arith.constant 0 : i32
      %dma_wait3A_46 = arith.constant 0 : i32
      %dma_wait3A_47 = tpu.memref_slice %dma_wait3A_44[%arg1, %dma_wait3A_45, %dma_wait3A_46] : memref<16x79x128xi32, #tpu.memory_space<hbm>> -> memref<1x79x128xi32, #tpu.memory_space<hbm>>
      %dma_wait3A_48 = tpu.memref_squeeze %dma_wait3A_47 : memref<1x79x128xi32, #tpu.memory_space<hbm>> -> memref<79x128xi32, #tpu.memory_space<hbm>>
      tpu.wait_dma2 semaphore(%run_scoped3A : memref<!tpu.dma_semaphore, #tpu.memory_space<semaphore_mem>>) src(%dma_wait3A_48 : memref<79x128xi32, #tpu.memory_space<hbm>>) dst(%arg5 : memref<79x128xi32, #tpu.memory_space<vmem>>)
      tpu.yield
    }) : () -> ()
    %broadcast_in_dim3A = arith.constant 1.000000e+00 : f32
    %broadcast_in_dim3A_0 = vector.broadcast %broadcast_in_dim3A : f32 to vector<16xf32>
    %scan3A = arith.constant 0 : i32
    %scan3A_1 = arith.constant 79 : i32
    %scan3A_2 = arith.addi %scan3A, %scan3A_1 : i32
    %scan3A_3 = arith.constant 1 : i32
    scf.for %scan3A_15 = %scan3A to %scan3A_2 step %scan3A_3  : i32 {
      %mul3A_16 = arith.constant 1 : i32
      %mul3A_17 = arith.muli %scan3A_15, %mul3A_16 : i32
      %add3A_18 = arith.constant 0 : i32
      %add3A_19 = arith.addi %add3A_18, %mul3A_17 : i32
      %scan3A_20 = arith.constant 0 : i32
      %scan3A_21 = arith.constant 8 : i32
      %scan3A_22 = arith.addi %scan3A_20, %scan3A_21 : i32
      %scan3A_23 = arith.constant 1 : i32
      scf.for %scan3A_25 = %scan3A_20 to %scan3A_22 step %scan3A_23  : i32 {
        %mul3A_26 = arith.constant 1 : i32
        %mul3A_27 = arith.muli %scan3A_25, %mul3A_26 : i32
        %add3A_28 = arith.constant 0 : i32
        %add3A_29 = arith.addi %add3A_28, %mul3A_27 : i32
        %mul3A_30 = arith.constant 16 : i32
        %mul3A_31 = arith.muli %add3A_29, %mul3A_30 : i32
        %get3A = arith.index_cast %add3A_19 : i32 to index
        %get3A_32 = arith.index_cast %mul3A_31 : i32 to index
        %get3A_33 = tpu.vector_load %arg5[%get3A, %get3A_32] {strides = array<i32>} : memref<79x128xi32, #tpu.memory_space<vmem>>, vector<16xi32>,
        tpu.vector_store_idx %arg6[%get3A_33], %broadcast_in_dim3A_0 {add = true} : memref<10240xf32, #tpu.memory_space<vmem>>[vector<16xi32>], vector<16xf32>,
      }
      %scan3A_24 = arith.constant 8 : i32
    }
    %scan3A_4 = arith.constant 79 : i32
    "tpu.region"() ({
      %run_scoped3A = tpu.sem_alloc : memref<!tpu.dma_semaphore, #tpu.memory_space<semaphore_mem>>
      %dma_start3A = arith.constant 0 : i32
      %dma_start3A_15 = tpu.memref_slice %arg9[%arg1, %dma_start3A] : memref<16x10240xf32, #tpu.memory_space<vmem_shared>> -> memref<1x10240xf32, #tpu.memory_space<vmem_shared>>
      %dma_start3A_16 = tpu.memref_squeeze %dma_start3A_15 : memref<1x10240xf32, #tpu.memory_space<vmem_shared>> -> memref<10240xf32, #tpu.memory_space<vmem_shared>>
      %dma_start3A_17 = arith.constant 0 : i32
      %dma_start3A_18 = tpu.memref_slice %arg9[%arg1, %dma_start3A_17] : memref<16x10240xf32, #tpu.memory_space<vmem_shared>> -> memref<1x10240xf32, #tpu.memory_space<vmem_shared>>
      %dma_start3A_19 = tpu.memref_squeeze %dma_start3A_18 : memref<1x10240xf32, #tpu.memory_space<vmem_shared>> -> memref<10240xf32, #tpu.memory_space<vmem_shared>>
      tpu.enqueue_dma source(%arg6 : memref<10240xf32, #tpu.memory_space<vmem>>) target(%dma_start3A_19 : memref<10240xf32, #tpu.memory_space<vmem_shared>>) target_semaphore(%run_scoped3A : memref<!tpu.dma_semaphore, #tpu.memory_space<semaphore_mem>>)
      %dma_wait3A = arith.constant 0 : i32
      %dma_wait3A_20 = tpu.memref_slice %arg9[%arg1, %dma_wait3A] : memref<16x10240xf32, #tpu.memory_space<vmem_shared>> -> memref<1x10240xf32, #tpu.memory_space<vmem_shared>>
      %dma_wait3A_21 = tpu.memref_squeeze %dma_wait3A_20 : memref<1x10240xf32, #tpu.memory_space<vmem_shared>> -> memref<10240xf32, #tpu.memory_space<vmem_shared>>
      %dma_wait3A_22 = arith.constant 0 : i32
      %dma_wait3A_23 = tpu.memref_slice %arg9[%arg1, %dma_wait3A_22] : memref<16x10240xf32, #tpu.memory_space<vmem_shared>> -> memref<1x10240xf32, #tpu.memory_space<vmem_shared>>
      %dma_wait3A_24 = tpu.memref_squeeze %dma_wait3A_23 : memref<1x10240xf32, #tpu.memory_space<vmem_shared>> -> memref<10240xf32, #tpu.memory_space<vmem_shared>>
      tpu.wait_dma2 semaphore(%run_scoped3A : memref<!tpu.dma_semaphore, #tpu.memory_space<semaphore_mem>>) src(%arg6 : memref<10240xf32, #tpu.memory_space<vmem>>) dst(%dma_wait3A_24 : memref<10240xf32, #tpu.memory_space<vmem_shared>>)
      tpu.yield
    }) : () -> ()
    %barrier3A = arith.constant 0 : index
    tpu.barrier barrier_id(%barrier3A)
    %mul3A = arith.constant 640 : i32
    %mul3A_5 = arith.muli %arg1, %mul3A : i32
    "tpu.region"() ({
      %run_scoped3A = tpu.sem_alloc : memref<!tpu.dma_semaphore, #tpu.memory_space<semaphore_mem>>
      %dma_start3A = arith.constant 0 : i32
      %dma_start3A_15 = tpu.memref_slice %arg9[%dma_start3A, %mul3A_5] : memref<16x10240xf32, #tpu.memory_space<vmem_shared>> -> memref<16x640xf32, #tpu.memory_space<vmem_shared>>
      %dma_start3A_16 = arith.constant 0 : i32
      %dma_start3A_17 = tpu.memref_slice %arg9[%dma_start3A_16, %mul3A_5] : memref<16x10240xf32, #tpu.memory_space<vmem_shared>> -> memref<16x640xf32, #tpu.memory_space<vmem_shared>>
      tpu.enqueue_dma source(%dma_start3A_17 : memref<16x640xf32, #tpu.memory_space<vmem_shared>>) target(%arg7 : memref<16x640xf32, #tpu.memory_space<vmem>>) target_semaphore(%run_scoped3A : memref<!tpu.dma_semaphore, #tpu.memory_space<semaphore_mem>>)
      %dma_wait3A = arith.constant 0 : i32
      %dma_wait3A_18 = tpu.memref_slice %arg9[%dma_wait3A, %mul3A_5] : memref<16x10240xf32, #tpu.memory_space<vmem_shared>> -> memref<16x640xf32, #tpu.memory_space<vmem_shared>>
      %dma_wait3A_19 = arith.constant 0 : i32
      %dma_wait3A_20 = tpu.memref_slice %arg9[%dma_wait3A_19, %mul3A_5] : memref<16x10240xf32, #tpu.memory_space<vmem_shared>> -> memref<16x640xf32, #tpu.memory_space<vmem_shared>>
      tpu.wait_dma2 semaphore(%run_scoped3A : memref<!tpu.dma_semaphore, #tpu.memory_space<semaphore_mem>>) src(%dma_wait3A_20 : memref<16x640xf32, #tpu.memory_space<vmem_shared>>) dst(%arg7 : memref<16x640xf32, #tpu.memory_space<vmem>>)
      tpu.yield
    }) : () -> ()
    %scan3A_6 = arith.constant 0 : i32
    %scan3A_7 = arith.constant 40 : i32
    %scan3A_8 = arith.addi %scan3A_6, %scan3A_7 : i32
    %scan3A_9 = arith.constant 1 : i32
    scf.for %scan3A_15 = %scan3A_6 to %scan3A_8 step %scan3A_9  : i32 {
      %mul3A_16 = arith.constant 1 : i32
      %mul3A_17 = arith.muli %scan3A_15, %mul3A_16 : i32
      %add3A_18 = arith.constant 0 : i32
      %add3A_19 = arith.addi %add3A_18, %mul3A_17 : i32
      %broadcast_in_dim3A_20 = arith.constant 0.000000e+00 : f32
      %broadcast_in_dim3A_21 = vector.broadcast %broadcast_in_dim3A_20 : f32 to vector<16xf32>
      %mul3A_22 = arith.constant 16 : i32
      %mul3A_23 = arith.muli %add3A_19, %mul3A_22 : i32
      %get3A = arith.constant 0 : i32
      %get3A_24 = arith.index_cast %get3A : i32 to index
      %get3A_25 = arith.index_cast %mul3A_23 : i32 to index
      %get3A_26 = tpu.vector_load %arg7[%get3A_24, %get3A_25] {strides = array<i32>} : memref<16x640xf32, #tpu.memory_space<vmem>>, vector<16xf32>,
      %add3A_27 = arith.addf %broadcast_in_dim3A_21, %get3A_26 : vector<16xf32>
      %mul3A_28 = arith.constant 16 : i32
      %mul3A_29 = arith.muli %add3A_19, %mul3A_28 : i32
      %get3A_30 = arith.constant 1 : i32
      %get3A_31 = arith.index_cast %get3A_30 : i32 to index
      %get3A_32 = arith.index_cast %mul3A_29 : i32 to index
      %get3A_33 = tpu.vector_load %arg7[%get3A_31, %get3A_32] {strides = array<i32>} : memref<16x640xf32, #tpu.memory_space<vmem>>, vector<16xf32>,
      %add3A_34 = arith.addf %add3A_27, %get3A_33 : vector<16xf32>
      %mul3A_35 = arith.constant 16 : i32
      %mul3A_36 = arith.muli %add3A_19, %mul3A_35 : i32
      %get3A_37 = arith.constant 2 : i32
      %get3A_38 = arith.index_cast %get3A_37 : i32 to index
      %get3A_39 = arith.index_cast %mul3A_36 : i32 to index
      %get3A_40 = tpu.vector_load %arg7[%get3A_38, %get3A_39] {strides = array<i32>} : memref<16x640xf32, #tpu.memory_space<vmem>>, vector<16xf32>,
      %add3A_41 = arith.addf %add3A_34, %get3A_40 : vector<16xf32>
      %mul3A_42 = arith.constant 16 : i32
      %mul3A_43 = arith.muli %add3A_19, %mul3A_42 : i32
      %get3A_44 = arith.constant 3 : i32
      %get3A_45 = arith.index_cast %get3A_44 : i32 to index
      %get3A_46 = arith.index_cast %mul3A_43 : i32 to index
      %get3A_47 = tpu.vector_load %arg7[%get3A_45, %get3A_46] {strides = array<i32>} : memref<16x640xf32, #tpu.memory_space<vmem>>, vector<16xf32>,
      %add3A_48 = arith.addf %add3A_41, %get3A_47 : vector<16xf32>
      %mul3A_49 = arith.constant 16 : i32
      %mul3A_50 = arith.muli %add3A_19, %mul3A_49 : i32
      %get3A_51 = arith.constant 4 : i32
      %get3A_52 = arith.index_cast %get3A_51 : i32 to index
      %get3A_53 = arith.index_cast %mul3A_50 : i32 to index
      %get3A_54 = tpu.vector_load %arg7[%get3A_52, %get3A_53] {strides = array<i32>} : memref<16x640xf32, #tpu.memory_space<vmem>>, vector<16xf32>,
      %add3A_55 = arith.addf %add3A_48, %get3A_54 : vector<16xf32>
      %mul3A_56 = arith.constant 16 : i32
      %mul3A_57 = arith.muli %add3A_19, %mul3A_56 : i32
      %get3A_58 = arith.constant 5 : i32
      %get3A_59 = arith.index_cast %get3A_58 : i32 to index
      %get3A_60 = arith.index_cast %mul3A_57 : i32 to index
      %get3A_61 = tpu.vector_load %arg7[%get3A_59, %get3A_60] {strides = array<i32>} : memref<16x640xf32, #tpu.memory_space<vmem>>, vector<16xf32>,
      %add3A_62 = arith.addf %add3A_55, %get3A_61 : vector<16xf32>
      %mul3A_63 = arith.constant 16 : i32
      %mul3A_64 = arith.muli %add3A_19, %mul3A_63 : i32
      %get3A_65 = arith.constant 6 : i32
      %get3A_66 = arith.index_cast %get3A_65 : i32 to index
      %get3A_67 = arith.index_cast %mul3A_64 : i32 to index
      %get3A_68 = tpu.vector_load %arg7[%get3A_66, %get3A_67] {strides = array<i32>} : memref<16x640xf32, #tpu.memory_space<vmem>>, vector<16xf32>,
      %add3A_69 = arith.addf %add3A_62, %get3A_68 : vector<16xf32>
      %mul3A_70 = arith.constant 16 : i32
      %mul3A_71 = arith.muli %add3A_19, %mul3A_70 : i32
      %get3A_72 = arith.constant 7 : i32
      %get3A_73 = arith.index_cast %get3A_72 : i32 to index
      %get3A_74 = arith.index_cast %mul3A_71 : i32 to index
      %get3A_75 = tpu.vector_load %arg7[%get3A_73, %get3A_74] {strides = array<i32>} : memref<16x640xf32, #tpu.memory_space<vmem>>, vector<16xf32>,
      %add3A_76 = arith.addf %add3A_69, %get3A_75 : vector<16xf32>
      %mul3A_77 = arith.constant 16 : i32
      %mul3A_78 = arith.muli %add3A_19, %mul3A_77 : i32
      %get3A_79 = arith.constant 8 : i32
      %get3A_80 = arith.index_cast %get3A_79 : i32 to index
      %get3A_81 = arith.index_cast %mul3A_78 : i32 to index
      %get3A_82 = tpu.vector_load %arg7[%get3A_80, %get3A_81] {strides = array<i32>} : memref<16x640xf32, #tpu.memory_space<vmem>>, vector<16xf32>,
      %add3A_83 = arith.addf %add3A_76, %get3A_82 : vector<16xf32>
      %mul3A_84 = arith.constant 16 : i32
      %mul3A_85 = arith.muli %add3A_19, %mul3A_84 : i32
      %get3A_86 = arith.constant 9 : i32
      %get3A_87 = arith.index_cast %get3A_86 : i32 to index
      %get3A_88 = arith.index_cast %mul3A_85 : i32 to index
      %get3A_89 = tpu.vector_load %arg7[%get3A_87, %get3A_88] {strides = array<i32>} : memref<16x640xf32, #tpu.memory_space<vmem>>, vector<16xf32>,
      %add3A_90 = arith.addf %add3A_83, %get3A_89 : vector<16xf32>
      %mul3A_91 = arith.constant 16 : i32
      %mul3A_92 = arith.muli %add3A_19, %mul3A_91 : i32
      %get3A_93 = arith.constant 10 : i32
      %get3A_94 = arith.index_cast %get3A_93 : i32 to index
      %get3A_95 = arith.index_cast %mul3A_92 : i32 to index
      %get3A_96 = tpu.vector_load %arg7[%get3A_94, %get3A_95] {strides = array<i32>} : memref<16x640xf32, #tpu.memory_space<vmem>>, vector<16xf32>,
      %add3A_97 = arith.addf %add3A_90, %get3A_96 : vector<16xf32>
      %mul3A_98 = arith.constant 16 : i32
      %mul3A_99 = arith.muli %add3A_19, %mul3A_98 : i32
      %get3A_100 = arith.constant 11 : i32
      %get3A_101 = arith.index_cast %get3A_100 : i32 to index
      %get3A_102 = arith.index_cast %mul3A_99 : i32 to index
      %get3A_103 = tpu.vector_load %arg7[%get3A_101, %get3A_102] {strides = array<i32>} : memref<16x640xf32, #tpu.memory_space<vmem>>, vector<16xf32>,
      %add3A_104 = arith.addf %add3A_97, %get3A_103 : vector<16xf32>
      %mul3A_105 = arith.constant 16 : i32
      %mul3A_106 = arith.muli %add3A_19, %mul3A_105 : i32
      %get3A_107 = arith.constant 12 : i32
      %get3A_108 = arith.index_cast %get3A_107 : i32 to index
      %get3A_109 = arith.index_cast %mul3A_106 : i32 to index
      %get3A_110 = tpu.vector_load %arg7[%get3A_108, %get3A_109] {strides = array<i32>} : memref<16x640xf32, #tpu.memory_space<vmem>>, vector<16xf32>,
      %add3A_111 = arith.addf %add3A_104, %get3A_110 : vector<16xf32>
      %mul3A_112 = arith.constant 16 : i32
      %mul3A_113 = arith.muli %add3A_19, %mul3A_112 : i32
      %get3A_114 = arith.constant 13 : i32
      %get3A_115 = arith.index_cast %get3A_114 : i32 to index
      %get3A_116 = arith.index_cast %mul3A_113 : i32 to index
      %get3A_117 = tpu.vector_load %arg7[%get3A_115, %get3A_116] {strides = array<i32>} : memref<16x640xf32, #tpu.memory_space<vmem>>, vector<16xf32>,
      %add3A_118 = arith.addf %add3A_111, %get3A_117 : vector<16xf32>
      %mul3A_119 = arith.constant 16 : i32
      %mul3A_120 = arith.muli %add3A_19, %mul3A_119 : i32
      %get3A_121 = arith.constant 14 : i32
      %get3A_122 = arith.index_cast %get3A_121 : i32 to index
      %get3A_123 = arith.index_cast %mul3A_120 : i32 to index
      %get3A_124 = tpu.vector_load %arg7[%get3A_122, %get3A_123] {strides = array<i32>} : memref<16x640xf32, #tpu.memory_space<vmem>>, vector<16xf32>,
      %add3A_125 = arith.addf %add3A_118, %get3A_124 : vector<16xf32>
      %mul3A_126 = arith.constant 16 : i32
      %mul3A_127 = arith.muli %add3A_19, %mul3A_126 : i32
      %get3A_128 = arith.constant 15 : i32
      %get3A_129 = arith.index_cast %get3A_128 : i32 to index
      %get3A_130 = arith.index_cast %mul3A_127 : i32 to index
      %get3A_131 = tpu.vector_load %arg7[%get3A_129, %get3A_130] {strides = array<i32>} : memref<16x640xf32, #tpu.memory_space<vmem>>, vector<16xf32>,
      %add3A_132 = arith.addf %add3A_125, %get3A_131 : vector<16xf32>
      %mul3A_133 = arith.constant 16 : i32
      %mul3A_134 = arith.muli %add3A_19, %mul3A_133 : i32
      %swap3A = arith.index_cast %mul3A_134 : i32 to index
      %swap3A_135 = tpu.vector_load %arg8[%swap3A] {strides = array<i32>} : memref<640xf32, #tpu.memory_space<vmem>>, vector<16xf32>,
      tpu.vector_store %arg8[%swap3A], %add3A_132 {strides = array<i32>} : memref<640xf32, #tpu.memory_space<vmem>>, vector<16xf32>,
    }
    %scan3A_10 = arith.constant 40 : i32
    %mul3A_11 = arith.constant 10240 : i32
    %mul3A_12 = arith.muli %arg0, %mul3A_11 : i32
    %mul3A_13 = arith.constant 640 : i32
    %mul3A_14 = arith.muli %arg1, %mul3A_13 : i32
    %add3A = arith.addi %mul3A_12, %mul3A_14 : i32
    "tpu.region"() ({
      %run_scoped3A = tpu.sem_alloc : memref<!tpu.dma_semaphore, #tpu.memory_space<semaphore_mem>>
      %dma_start3A = tpu.memref_slice %arg4[%add3A] : memref<20480xf32, #tpu.memory_space<hbm>> -> memref<640xf32, #tpu.memory_space<hbm>>
      %dma_start3A_15 = tpu.memref_slice %arg4[%add3A] : memref<20480xf32, #tpu.memory_space<hbm>> -> memref<640xf32, #tpu.memory_space<hbm>>
      tpu.enqueue_dma source(%arg8 : memref<640xf32, #tpu.memory_space<vmem>>) target(%dma_start3A_15 : memref<640xf32, #tpu.memory_space<hbm>>) target_semaphore(%run_scoped3A : memref<!tpu.dma_semaphore, #tpu.memory_space<semaphore_mem>>)
      %dma_wait3A = tpu.memref_slice %arg4[%add3A] : memref<20480xf32, #tpu.memory_space<hbm>> -> memref<640xf32, #tpu.memory_space<hbm>>
      %dma_wait3A_16 = tpu.memref_slice %arg4[%add3A] : memref<20480xf32, #tpu.memory_space<hbm>> -> memref<640xf32, #tpu.memory_space<hbm>>
      tpu.wait_dma2 semaphore(%run_scoped3A : memref<!tpu.dma_semaphore, #tpu.memory_space<semaphore_mem>>) src(%arg8 : memref<640xf32, #tpu.memory_space<vmem>>) dst(%dma_wait3A_16 : memref<640xf32, #tpu.memory_space<hbm>>)
      tpu.yield
    }) : () -> ()
    return
  }
}

#map = affine_map<(d0, d1) -> (0, 0)>
#map1 = affine_map<(d0, d1) -> (0, 0, 0, 0)>
#map2 = affine_map<(d0, d1) -> (0, 0, 0)>
module attributes {stable_mosaic.version = 14 : i64} {
  func.func @_msg_body(%arg0: i32, %arg1: i32, %arg2: memref<10000x128xf32, #tpu.memory_space<hbm>>, %arg3: memref<2x16x79x128xi32, #tpu.memory_space<hbm>>, %arg4: memref<2x16x79x128xi32, #tpu.memory_space<hbm>>, %arg5: memref<640x128xf32, #tpu.memory_space<hbm>>, %arg6: memref<2x10240x128xf32, #tpu.memory_space<hbm>>, %arg7: memref<79x128xi32, #tpu.memory_space<vmem>>, %arg8: memref<79x128xi32, #tpu.memory_space<vmem>>, %arg9: memref<128x128xf32, #tpu.memory_space<vmem>>, %arg10: memref<10240x128xf32, #tpu.memory_space<vmem_shared>>) attributes {dimension_semantics = [#tpu.dimension_semantics<core_parallel>, #tpu.dimension_semantics<subcore_parallel>], iteration_bounds = array<i64: 2, 16>, scalar_prefetch = 0 : i64, scratch_operands = 4 : i64, tpu.core_type = #tpu.core_type<sc_vector_subcore>, window_params = [{transform_indices = #map}, {transform_indices = #map1}, {transform_indices = #map1}, {transform_indices = #map}, {transform_indices = #map2}]} {
    %mul3A = arith.constant 640 : i32
    %mul3A_0 = arith.muli %arg1, %mul3A : i32
    "tpu.region"() ({
      %run_scoped3A = tpu.sem_alloc : memref<!tpu.dma_semaphore, #tpu.memory_space<semaphore_mem>>
      %dma_start3A = arith.constant 0 : i32
      %dma_start3A_8 = tpu.memref_slice %arg10[%mul3A_0, %dma_start3A] : memref<10240x128xf32, #tpu.memory_space<vmem_shared>> -> memref<640x128xf32, #tpu.memory_space<vmem_shared>>
      tpu.enqueue_dma source(%arg5 : memref<640x128xf32, #tpu.memory_space<hbm>>) target(%dma_start3A_8 : memref<640x128xf32, #tpu.memory_space<vmem_shared>>) target_semaphore(%run_scoped3A : memref<!tpu.dma_semaphore, #tpu.memory_space<semaphore_mem>>)
      %dma_wait3A = arith.constant 0 : i32
      %dma_wait3A_9 = tpu.memref_slice %arg10[%mul3A_0, %dma_wait3A] : memref<10240x128xf32, #tpu.memory_space<vmem_shared>> -> memref<640x128xf32, #tpu.memory_space<vmem_shared>>
      tpu.wait_dma2 semaphore(%run_scoped3A : memref<!tpu.dma_semaphore, #tpu.memory_space<semaphore_mem>>) src(%arg5 : memref<640x128xf32, #tpu.memory_space<hbm>>) dst(%dma_wait3A_9 : memref<640x128xf32, #tpu.memory_space<vmem_shared>>)
      tpu.yield
    }) : () -> ()
    "tpu.region"() ({
      %run_scoped3A = tpu.sem_alloc : memref<!tpu.dma_semaphore, #tpu.memory_space<semaphore_mem>>
      %dma_start3A = arith.constant 0 : i32
      %dma_start3A_8 = arith.constant 0 : i32
      %dma_start3A_9 = arith.constant 0 : i32
      %dma_start3A_10 = tpu.memref_slice %arg3[%arg0, %dma_start3A, %dma_start3A_8, %dma_start3A_9] : memref<2x16x79x128xi32, #tpu.memory_space<hbm>> -> memref<1x16x79x128xi32, #tpu.memory_space<hbm>>
      %dma_start3A_11 = tpu.memref_squeeze %dma_start3A_10 : memref<1x16x79x128xi32, #tpu.memory_space<hbm>> -> memref<16x79x128xi32, #tpu.memory_space<hbm>>
      %dma_start3A_12 = arith.constant 0 : i32
      %dma_start3A_13 = arith.constant 0 : i32
      %dma_start3A_14 = tpu.memref_slice %dma_start3A_11[%arg1, %dma_start3A_12, %dma_start3A_13] : memref<16x79x128xi32, #tpu.memory_space<hbm>> -> memref<1x79x128xi32, #tpu.memory_space<hbm>>
      %dma_start3A_15 = tpu.memref_squeeze %dma_start3A_14 : memref<1x79x128xi32, #tpu.memory_space<hbm>> -> memref<79x128xi32, #tpu.memory_space<hbm>>
      %dma_start3A_16 = arith.constant 0 : i32
      %dma_start3A_17 = arith.constant 0 : i32
      %dma_start3A_18 = arith.constant 0 : i32
      %dma_start3A_19 = tpu.memref_slice %arg3[%arg0, %dma_start3A_16, %dma_start3A_17, %dma_start3A_18] : memref<2x16x79x128xi32, #tpu.memory_space<hbm>> -> memref<1x16x79x128xi32, #tpu.memory_space<hbm>>
      %dma_start3A_20 = tpu.memref_squeeze %dma_start3A_19 : memref<1x16x79x128xi32, #tpu.memory_space<hbm>> -> memref<16x79x128xi32, #tpu.memory_space<hbm>>
      %dma_start3A_21 = arith.constant 0 : i32
      %dma_start3A_22 = arith.constant 0 : i32
      %dma_start3A_23 = tpu.memref_slice %dma_start3A_20[%arg1, %dma_start3A_21, %dma_start3A_22] : memref<16x79x128xi32, #tpu.memory_space<hbm>> -> memref<1x79x128xi32, #tpu.memory_space<hbm>>
      %dma_start3A_24 = tpu.memref_squeeze %dma_start3A_23 : memref<1x79x128xi32, #tpu.memory_space<hbm>> -> memref<79x128xi32, #tpu.memory_space<hbm>>
      tpu.enqueue_dma source(%dma_start3A_24 : memref<79x128xi32, #tpu.memory_space<hbm>>) target(%arg7 : memref<79x128xi32, #tpu.memory_space<vmem>>) target_semaphore(%run_scoped3A : memref<!tpu.dma_semaphore, #tpu.memory_space<semaphore_mem>>)
      %dma_wait3A = arith.constant 0 : i32
      %dma_wait3A_25 = arith.constant 0 : i32
      %dma_wait3A_26 = arith.constant 0 : i32
      %dma_wait3A_27 = tpu.memref_slice %arg3[%arg0, %dma_wait3A, %dma_wait3A_25, %dma_wait3A_26] : memref<2x16x79x128xi32, #tpu.memory_space<hbm>> -> memref<1x16x79x128xi32, #tpu.memory_space<hbm>>
      %dma_wait3A_28 = tpu.memref_squeeze %dma_wait3A_27 : memref<1x16x79x128xi32, #tpu.memory_space<hbm>> -> memref<16x79x128xi32, #tpu.memory_space<hbm>>
      %dma_wait3A_29 = arith.constant 0 : i32
      %dma_wait3A_30 = arith.constant 0 : i32
      %dma_wait3A_31 = tpu.memref_slice %dma_wait3A_28[%arg1, %dma_wait3A_29, %dma_wait3A_30] : memref<16x79x128xi32, #tpu.memory_space<hbm>> -> memref<1x79x128xi32, #tpu.memory_space<hbm>>
      %dma_wait3A_32 = tpu.memref_squeeze %dma_wait3A_31 : memref<1x79x128xi32, #tpu.memory_space<hbm>> -> memref<79x128xi32, #tpu.memory_space<hbm>>
      %dma_wait3A_33 = arith.constant 0 : i32
      %dma_wait3A_34 = arith.constant 0 : i32
      %dma_wait3A_35 = arith.constant 0 : i32
      %dma_wait3A_36 = tpu.memref_slice %arg3[%arg0, %dma_wait3A_33, %dma_wait3A_34, %dma_wait3A_35] : memref<2x16x79x128xi32, #tpu.memory_space<hbm>> -> memref<1x16x79x128xi32, #tpu.memory_space<hbm>>
      %dma_wait3A_37 = tpu.memref_squeeze %dma_wait3A_36 : memref<1x16x79x128xi32, #tpu.memory_space<hbm>> -> memref<16x79x128xi32, #tpu.memory_space<hbm>>
      %dma_wait3A_38 = arith.constant 0 : i32
      %dma_wait3A_39 = arith.constant 0 : i32
      %dma_wait3A_40 = tpu.memref_slice %dma_wait3A_37[%arg1, %dma_wait3A_38, %dma_wait3A_39] : memref<16x79x128xi32, #tpu.memory_space<hbm>> -> memref<1x79x128xi32, #tpu.memory_space<hbm>>
      %dma_wait3A_41 = tpu.memref_squeeze %dma_wait3A_40 : memref<1x79x128xi32, #tpu.memory_space<hbm>> -> memref<79x128xi32, #tpu.memory_space<hbm>>
      tpu.wait_dma2 semaphore(%run_scoped3A : memref<!tpu.dma_semaphore, #tpu.memory_space<semaphore_mem>>) src(%dma_wait3A_41 : memref<79x128xi32, #tpu.memory_space<hbm>>) dst(%arg7 : memref<79x128xi32, #tpu.memory_space<vmem>>)
      tpu.yield
    }) : () -> ()
    "tpu.region"() ({
      %run_scoped3A = tpu.sem_alloc : memref<!tpu.dma_semaphore, #tpu.memory_space<semaphore_mem>>
      %dma_start3A = arith.constant 0 : i32
      %dma_start3A_8 = arith.constant 0 : i32
      %dma_start3A_9 = arith.constant 0 : i32
      %dma_start3A_10 = tpu.memref_slice %arg4[%arg0, %dma_start3A, %dma_start3A_8, %dma_start3A_9] : memref<2x16x79x128xi32, #tpu.memory_space<hbm>> -> memref<1x16x79x128xi32, #tpu.memory_space<hbm>>
      %dma_start3A_11 = tpu.memref_squeeze %dma_start3A_10 : memref<1x16x79x128xi32, #tpu.memory_space<hbm>> -> memref<16x79x128xi32, #tpu.memory_space<hbm>>
      %dma_start3A_12 = arith.constant 0 : i32
      %dma_start3A_13 = arith.constant 0 : i32
      %dma_start3A_14 = tpu.memref_slice %dma_start3A_11[%arg1, %dma_start3A_12, %dma_start3A_13] : memref<16x79x128xi32, #tpu.memory_space<hbm>> -> memref<1x79x128xi32, #tpu.memory_space<hbm>>
      %dma_start3A_15 = tpu.memref_squeeze %dma_start3A_14 : memref<1x79x128xi32, #tpu.memory_space<hbm>> -> memref<79x128xi32, #tpu.memory_space<hbm>>
      %dma_start3A_16 = arith.constant 0 : i32
      %dma_start3A_17 = arith.constant 0 : i32
      %dma_start3A_18 = arith.constant 0 : i32
      %dma_start3A_19 = tpu.memref_slice %arg4[%arg0, %dma_start3A_16, %dma_start3A_17, %dma_start3A_18] : memref<2x16x79x128xi32, #tpu.memory_space<hbm>> -> memref<1x16x79x128xi32, #tpu.memory_space<hbm>>
      %dma_start3A_20 = tpu.memref_squeeze %dma_start3A_19 : memref<1x16x79x128xi32, #tpu.memory_space<hbm>> -> memref<16x79x128xi32, #tpu.memory_space<hbm>>
      %dma_start3A_21 = arith.constant 0 : i32
      %dma_start3A_22 = arith.constant 0 : i32
      %dma_start3A_23 = tpu.memref_slice %dma_start3A_20[%arg1, %dma_start3A_21, %dma_start3A_22] : memref<16x79x128xi32, #tpu.memory_space<hbm>> -> memref<1x79x128xi32, #tpu.memory_space<hbm>>
      %dma_start3A_24 = tpu.memref_squeeze %dma_start3A_23 : memref<1x79x128xi32, #tpu.memory_space<hbm>> -> memref<79x128xi32, #tpu.memory_space<hbm>>
      tpu.enqueue_dma source(%dma_start3A_24 : memref<79x128xi32, #tpu.memory_space<hbm>>) target(%arg8 : memref<79x128xi32, #tpu.memory_space<vmem>>) target_semaphore(%run_scoped3A : memref<!tpu.dma_semaphore, #tpu.memory_space<semaphore_mem>>)
      %dma_wait3A = arith.constant 0 : i32
      %dma_wait3A_25 = arith.constant 0 : i32
      %dma_wait3A_26 = arith.constant 0 : i32
      %dma_wait3A_27 = tpu.memref_slice %arg4[%arg0, %dma_wait3A, %dma_wait3A_25, %dma_wait3A_26] : memref<2x16x79x128xi32, #tpu.memory_space<hbm>> -> memref<1x16x79x128xi32, #tpu.memory_space<hbm>>
      %dma_wait3A_28 = tpu.memref_squeeze %dma_wait3A_27 : memref<1x16x79x128xi32, #tpu.memory_space<hbm>> -> memref<16x79x128xi32, #tpu.memory_space<hbm>>
      %dma_wait3A_29 = arith.constant 0 : i32
      %dma_wait3A_30 = arith.constant 0 : i32
      %dma_wait3A_31 = tpu.memref_slice %dma_wait3A_28[%arg1, %dma_wait3A_29, %dma_wait3A_30] : memref<16x79x128xi32, #tpu.memory_space<hbm>> -> memref<1x79x128xi32, #tpu.memory_space<hbm>>
      %dma_wait3A_32 = tpu.memref_squeeze %dma_wait3A_31 : memref<1x79x128xi32, #tpu.memory_space<hbm>> -> memref<79x128xi32, #tpu.memory_space<hbm>>
      %dma_wait3A_33 = arith.constant 0 : i32
      %dma_wait3A_34 = arith.constant 0 : i32
      %dma_wait3A_35 = arith.constant 0 : i32
      %dma_wait3A_36 = tpu.memref_slice %arg4[%arg0, %dma_wait3A_33, %dma_wait3A_34, %dma_wait3A_35] : memref<2x16x79x128xi32, #tpu.memory_space<hbm>> -> memref<1x16x79x128xi32, #tpu.memory_space<hbm>>
      %dma_wait3A_37 = tpu.memref_squeeze %dma_wait3A_36 : memref<1x16x79x128xi32, #tpu.memory_space<hbm>> -> memref<16x79x128xi32, #tpu.memory_space<hbm>>
      %dma_wait3A_38 = arith.constant 0 : i32
      %dma_wait3A_39 = arith.constant 0 : i32
      %dma_wait3A_40 = tpu.memref_slice %dma_wait3A_37[%arg1, %dma_wait3A_38, %dma_wait3A_39] : memref<16x79x128xi32, #tpu.memory_space<hbm>> -> memref<1x79x128xi32, #tpu.memory_space<hbm>>
      %dma_wait3A_41 = tpu.memref_squeeze %dma_wait3A_40 : memref<1x79x128xi32, #tpu.memory_space<hbm>> -> memref<79x128xi32, #tpu.memory_space<hbm>>
      tpu.wait_dma2 semaphore(%run_scoped3A : memref<!tpu.dma_semaphore, #tpu.memory_space<semaphore_mem>>) src(%dma_wait3A_41 : memref<79x128xi32, #tpu.memory_space<hbm>>) dst(%arg8 : memref<79x128xi32, #tpu.memory_space<vmem>>)
      tpu.yield
    }) : () -> ()
    %barrier3A = arith.constant 0 : index
    tpu.barrier barrier_id(%barrier3A)
    %scan3A = arith.constant 0 : i32
    %scan3A_1 = arith.constant 79 : i32
    %scan3A_2 = arith.addi %scan3A, %scan3A_1 : i32
    %scan3A_3 = arith.constant 1 : i32
    scf.for %scan3A_8 = %scan3A to %scan3A_2 step %scan3A_3  : i32 {
      %mul3A_9 = arith.constant 1 : i32
      %mul3A_10 = arith.muli %scan3A_8, %mul3A_9 : i32
      %add3A = arith.constant 0 : i32
      %add3A_11 = arith.addi %add3A, %mul3A_10 : i32
      "tpu.region"() ({
        %run_scoped3A = tpu.sem_alloc : memref<!tpu.dma_semaphore, #tpu.memory_space<semaphore_mem>>
        %dma_start3A = arith.constant 0 : i32
        %dma_start3A_12 = tpu.memref_slice %arg7[%add3A_11, %dma_start3A] : memref<79x128xi32, #tpu.memory_space<vmem>> -> memref<1x128xi32, #tpu.memory_space<vmem>>
        %dma_start3A_13 = tpu.memref_squeeze %dma_start3A_12 : memref<1x128xi32, #tpu.memory_space<vmem>> -> memref<128xi32, #tpu.memory_space<vmem>>
        %dma_start3A_14 = arith.constant 0 : i32
        %dma_start3A_15 = arith.constant 0 : i32
        %dma_start3A_16 = tpu.memref_slice %arg2[%dma_start3A_14, %dma_start3A_15] : memref<10000x128xf32, #tpu.memory_space<hbm>> -> memref<10000x128xf32, #tpu.memory_space<hbm>>
        tpu.enqueue_indirect_dma source(%dma_start3A_16 : memref<10000x128xf32, #tpu.memory_space<hbm>>) target(%arg9 : memref<128x128xf32, #tpu.memory_space<vmem>>) offsets(%dma_start3A_13 : memref<128xi32, #tpu.memory_space<vmem>>) semaphore(%run_scoped3A : memref<!tpu.dma_semaphore, #tpu.memory_space<semaphore_mem>>)
        %dma_wait3A = arith.constant 0 : i32
        %dma_wait3A_17 = tpu.memref_slice %arg7[%add3A_11, %dma_wait3A] : memref<79x128xi32, #tpu.memory_space<vmem>> -> memref<1x128xi32, #tpu.memory_space<vmem>>
        %dma_wait3A_18 = tpu.memref_squeeze %dma_wait3A_17 : memref<1x128xi32, #tpu.memory_space<vmem>> -> memref<128xi32, #tpu.memory_space<vmem>>
        %dma_wait3A_19 = arith.constant 0 : i32
        %dma_wait3A_20 = arith.constant 0 : i32
        %dma_wait3A_21 = tpu.memref_slice %arg2[%dma_wait3A_19, %dma_wait3A_20] : memref<10000x128xf32, #tpu.memory_space<hbm>> -> memref<10000x128xf32, #tpu.memory_space<hbm>>
        tpu.wait_indirect_dma semaphore(%run_scoped3A : memref<!tpu.dma_semaphore, #tpu.memory_space<semaphore_mem>>) src(%dma_wait3A_21 : memref<10000x128xf32, #tpu.memory_space<hbm>>) dst(%arg9 : memref<128x128xf32, #tpu.memory_space<vmem>>)
        tpu.yield
      }) : () -> ()
      "tpu.region"() ({
        %run_scoped3A = tpu.sem_alloc : memref<!tpu.dma_semaphore, #tpu.memory_space<semaphore_mem>>
        %dma_start3A = arith.constant 0 : i32
        %dma_start3A_12 = tpu.memref_slice %arg8[%add3A_11, %dma_start3A] : memref<79x128xi32, #tpu.memory_space<vmem>> -> memref<1x128xi32, #tpu.memory_space<vmem>>
        %dma_start3A_13 = tpu.memref_squeeze %dma_start3A_12 : memref<1x128xi32, #tpu.memory_space<vmem>> -> memref<128xi32, #tpu.memory_space<vmem>>
        %dma_start3A_14 = arith.constant 0 : i32
        %dma_start3A_15 = arith.constant 0 : i32
        %dma_start3A_16 = tpu.memref_slice %arg10[%dma_start3A_14, %dma_start3A_15] : memref<10240x128xf32, #tpu.memory_space<vmem_shared>> -> memref<10240x128xf32, #tpu.memory_space<vmem_shared>>
        tpu.enqueue_indirect_dma source(%arg9 : memref<128x128xf32, #tpu.memory_space<vmem>>) target(%dma_start3A_16 : memref<10240x128xf32, #tpu.memory_space<vmem_shared>>) offsets(%dma_start3A_13 : memref<128xi32, #tpu.memory_space<vmem>>) semaphore(%run_scoped3A : memref<!tpu.dma_semaphore, #tpu.memory_space<semaphore_mem>>) {add = true}
        %dma_wait3A = arith.constant 0 : i32
        %dma_wait3A_17 = tpu.memref_slice %arg8[%add3A_11, %dma_wait3A] : memref<79x128xi32, #tpu.memory_space<vmem>> -> memref<1x128xi32, #tpu.memory_space<vmem>>
        %dma_wait3A_18 = tpu.memref_squeeze %dma_wait3A_17 : memref<1x128xi32, #tpu.memory_space<vmem>> -> memref<128xi32, #tpu.memory_space<vmem>>
        %dma_wait3A_19 = arith.constant 0 : i32
        %dma_wait3A_20 = arith.constant 0 : i32
        %dma_wait3A_21 = tpu.memref_slice %arg10[%dma_wait3A_19, %dma_wait3A_20] : memref<10240x128xf32, #tpu.memory_space<vmem_shared>> -> memref<10240x128xf32, #tpu.memory_space<vmem_shared>>
        tpu.wait_indirect_dma semaphore(%run_scoped3A : memref<!tpu.dma_semaphore, #tpu.memory_space<semaphore_mem>>) src(%arg9 : memref<128x128xf32, #tpu.memory_space<vmem>>) dst(%dma_wait3A_21 : memref<10240x128xf32, #tpu.memory_space<vmem_shared>>)
        tpu.yield
      }) : () -> ()
    }
    %scan3A_4 = arith.constant 79 : i32
    %barrier3A_5 = arith.constant 0 : index
    tpu.barrier barrier_id(%barrier3A_5)
    %mul3A_6 = arith.constant 640 : i32
    %mul3A_7 = arith.muli %arg1, %mul3A_6 : i32
    "tpu.region"() ({
      %run_scoped3A = tpu.sem_alloc : memref<!tpu.dma_semaphore, #tpu.memory_space<semaphore_mem>>
      %dma_start3A = arith.constant 0 : i32
      %dma_start3A_8 = arith.constant 0 : i32
      %dma_start3A_9 = tpu.memref_slice %arg6[%arg0, %dma_start3A, %dma_start3A_8] : memref<2x10240x128xf32, #tpu.memory_space<hbm>> -> memref<1x10240x128xf32, #tpu.memory_space<hbm>>
      %dma_start3A_10 = tpu.memref_squeeze %dma_start3A_9 : memref<1x10240x128xf32, #tpu.memory_space<hbm>> -> memref<10240x128xf32, #tpu.memory_space<hbm>>
      %dma_start3A_11 = arith.constant 0 : i32
      %dma_start3A_12 = tpu.memref_slice %dma_start3A_10[%mul3A_7, %dma_start3A_11] : memref<10240x128xf32, #tpu.memory_space<hbm>> -> memref<640x128xf32, #tpu.memory_space<hbm>>
      %dma_start3A_13 = arith.constant 0 : i32
      %dma_start3A_14 = tpu.memref_slice %arg10[%mul3A_7, %dma_start3A_13] : memref<10240x128xf32, #tpu.memory_space<vmem_shared>> -> memref<640x128xf32, #tpu.memory_space<vmem_shared>>
      tpu.enqueue_dma source(%dma_start3A_14 : memref<640x128xf32, #tpu.memory_space<vmem_shared>>) target(%dma_start3A_12 : memref<640x128xf32, #tpu.memory_space<hbm>>) target_semaphore(%run_scoped3A : memref<!tpu.dma_semaphore, #tpu.memory_space<semaphore_mem>>)
      %dma_wait3A = arith.constant 0 : i32
      %dma_wait3A_15 = arith.constant 0 : i32
      %dma_wait3A_16 = tpu.memref_slice %arg6[%arg0, %dma_wait3A, %dma_wait3A_15] : memref<2x10240x128xf32, #tpu.memory_space<hbm>> -> memref<1x10240x128xf32, #tpu.memory_space<hbm>>
      %dma_wait3A_17 = tpu.memref_squeeze %dma_wait3A_16 : memref<1x10240x128xf32, #tpu.memory_space<hbm>> -> memref<10240x128xf32, #tpu.memory_space<hbm>>
      %dma_wait3A_18 = arith.constant 0 : i32
      %dma_wait3A_19 = tpu.memref_slice %dma_wait3A_17[%mul3A_7, %dma_wait3A_18] : memref<10240x128xf32, #tpu.memory_space<hbm>> -> memref<640x128xf32, #tpu.memory_space<hbm>>
      %dma_wait3A_20 = arith.constant 0 : i32
      %dma_wait3A_21 = tpu.memref_slice %arg10[%mul3A_7, %dma_wait3A_20] : memref<10240x128xf32, #tpu.memory_space<vmem_shared>> -> memref<640x128xf32, #tpu.memory_space<vmem_shared>>
      tpu.wait_dma2 semaphore(%run_scoped3A : memref<!tpu.dma_semaphore, #tpu.memory_space<semaphore_mem>>) src(%dma_wait3A_21 : memref<640x128xf32, #tpu.memory_space<vmem_shared>>) dst(%dma_wait3A_19 : memref<640x128xf32, #tpu.memory_space<hbm>>)
      tpu.yield
    }) : () -> ()
    return
  }
}

#map = affine_map<(d0, d1) -> (0, 0)>
#map1 = affine_map<(d0, d1) -> (0, 0, 0, 0)>
#map2 = affine_map<(d0, d1) -> (0, 0, 0)>
module attributes {stable_mosaic.version = 14 : i64} {
  func.func @_msg_body(%arg0: i32, %arg1: i32, %arg2: memref<10000x128xf32, #tpu.memory_space<hbm>>, %arg3: memref<2x16x79x128xi32, #tpu.memory_space<hbm>>, %arg4: memref<2x16x79x128xi32, #tpu.memory_space<hbm>>, %arg5: memref<640x128xf32, #tpu.memory_space<hbm>>, %arg6: memref<2x10240x128xf32, #tpu.memory_space<hbm>>, %arg7: memref<79x128xi32, #tpu.memory_space<vmem>>, %arg8: memref<79x128xi32, #tpu.memory_space<vmem>>, %arg9: memref<128x128xf32, #tpu.memory_space<vmem>>, %arg10: memref<10240x128xf32, #tpu.memory_space<vmem_shared>>) attributes {dimension_semantics = [#tpu.dimension_semantics<core_parallel>, #tpu.dimension_semantics<subcore_parallel>], iteration_bounds = array<i64: 2, 16>, scalar_prefetch = 0 : i64, scratch_operands = 4 : i64, tpu.core_type = #tpu.core_type<sc_vector_subcore>, window_params = [{transform_indices = #map}, {transform_indices = #map1}, {transform_indices = #map1}, {transform_indices = #map}, {transform_indices = #map2}]} {
    %mul3A = arith.constant 640 : i32
    %mul3A_0 = arith.muli %arg1, %mul3A : i32
    "tpu.region"() ({
      %run_scoped3A = tpu.sem_alloc : memref<!tpu.dma_semaphore, #tpu.memory_space<semaphore_mem>>
      %dma_start3A = arith.constant 0 : i32
      %dma_start3A_8 = tpu.memref_slice %arg10[%mul3A_0, %dma_start3A] : memref<10240x128xf32, #tpu.memory_space<vmem_shared>> -> memref<640x128xf32, #tpu.memory_space<vmem_shared>>
      tpu.enqueue_dma source(%arg5 : memref<640x128xf32, #tpu.memory_space<hbm>>) target(%dma_start3A_8 : memref<640x128xf32, #tpu.memory_space<vmem_shared>>) target_semaphore(%run_scoped3A : memref<!tpu.dma_semaphore, #tpu.memory_space<semaphore_mem>>)
      %dma_wait3A = arith.constant 0 : i32
      %dma_wait3A_9 = tpu.memref_slice %arg10[%mul3A_0, %dma_wait3A] : memref<10240x128xf32, #tpu.memory_space<vmem_shared>> -> memref<640x128xf32, #tpu.memory_space<vmem_shared>>
      tpu.wait_dma2 semaphore(%run_scoped3A : memref<!tpu.dma_semaphore, #tpu.memory_space<semaphore_mem>>) src(%arg5 : memref<640x128xf32, #tpu.memory_space<hbm>>) dst(%dma_wait3A_9 : memref<640x128xf32, #tpu.memory_space<vmem_shared>>)
      tpu.yield
    }) : () -> ()
    "tpu.region"() ({
      %run_scoped3A = tpu.sem_alloc : memref<!tpu.dma_semaphore, #tpu.memory_space<semaphore_mem>>
      %dma_start3A = arith.constant 0 : i32
      %dma_start3A_8 = arith.constant 0 : i32
      %dma_start3A_9 = arith.constant 0 : i32
      %dma_start3A_10 = tpu.memref_slice %arg3[%arg0, %dma_start3A, %dma_start3A_8, %dma_start3A_9] : memref<2x16x79x128xi32, #tpu.memory_space<hbm>> -> memref<1x16x79x128xi32, #tpu.memory_space<hbm>>
      %dma_start3A_11 = tpu.memref_squeeze %dma_start3A_10 : memref<1x16x79x128xi32, #tpu.memory_space<hbm>> -> memref<16x79x128xi32, #tpu.memory_space<hbm>>
      %dma_start3A_12 = arith.constant 0 : i32
      %dma_start3A_13 = arith.constant 0 : i32
      %dma_start3A_14 = tpu.memref_slice %dma_start3A_11[%arg1, %dma_start3A_12, %dma_start3A_13] : memref<16x79x128xi32, #tpu.memory_space<hbm>> -> memref<1x79x128xi32, #tpu.memory_space<hbm>>
      %dma_start3A_15 = tpu.memref_squeeze %dma_start3A_14 : memref<1x79x128xi32, #tpu.memory_space<hbm>> -> memref<79x128xi32, #tpu.memory_space<hbm>>
      %dma_start3A_16 = arith.constant 0 : i32
      %dma_start3A_17 = arith.constant 0 : i32
      %dma_start3A_18 = arith.constant 0 : i32
      %dma_start3A_19 = tpu.memref_slice %arg3[%arg0, %dma_start3A_16, %dma_start3A_17, %dma_start3A_18] : memref<2x16x79x128xi32, #tpu.memory_space<hbm>> -> memref<1x16x79x128xi32, #tpu.memory_space<hbm>>
      %dma_start3A_20 = tpu.memref_squeeze %dma_start3A_19 : memref<1x16x79x128xi32, #tpu.memory_space<hbm>> -> memref<16x79x128xi32, #tpu.memory_space<hbm>>
      %dma_start3A_21 = arith.constant 0 : i32
      %dma_start3A_22 = arith.constant 0 : i32
      %dma_start3A_23 = tpu.memref_slice %dma_start3A_20[%arg1, %dma_start3A_21, %dma_start3A_22] : memref<16x79x128xi32, #tpu.memory_space<hbm>> -> memref<1x79x128xi32, #tpu.memory_space<hbm>>
      %dma_start3A_24 = tpu.memref_squeeze %dma_start3A_23 : memref<1x79x128xi32, #tpu.memory_space<hbm>> -> memref<79x128xi32, #tpu.memory_space<hbm>>
      tpu.enqueue_dma source(%dma_start3A_24 : memref<79x128xi32, #tpu.memory_space<hbm>>) target(%arg7 : memref<79x128xi32, #tpu.memory_space<vmem>>) target_semaphore(%run_scoped3A : memref<!tpu.dma_semaphore, #tpu.memory_space<semaphore_mem>>)
      %dma_wait3A = arith.constant 0 : i32
      %dma_wait3A_25 = arith.constant 0 : i32
      %dma_wait3A_26 = arith.constant 0 : i32
      %dma_wait3A_27 = tpu.memref_slice %arg3[%arg0, %dma_wait3A, %dma_wait3A_25, %dma_wait3A_26] : memref<2x16x79x128xi32, #tpu.memory_space<hbm>> -> memref<1x16x79x128xi32, #tpu.memory_space<hbm>>
      %dma_wait3A_28 = tpu.memref_squeeze %dma_wait3A_27 : memref<1x16x79x128xi32, #tpu.memory_space<hbm>> -> memref<16x79x128xi32, #tpu.memory_space<hbm>>
      %dma_wait3A_29 = arith.constant 0 : i32
      %dma_wait3A_30 = arith.constant 0 : i32
      %dma_wait3A_31 = tpu.memref_slice %dma_wait3A_28[%arg1, %dma_wait3A_29, %dma_wait3A_30] : memref<16x79x128xi32, #tpu.memory_space<hbm>> -> memref<1x79x128xi32, #tpu.memory_space<hbm>>
      %dma_wait3A_32 = tpu.memref_squeeze %dma_wait3A_31 : memref<1x79x128xi32, #tpu.memory_space<hbm>> -> memref<79x128xi32, #tpu.memory_space<hbm>>
      %dma_wait3A_33 = arith.constant 0 : i32
      %dma_wait3A_34 = arith.constant 0 : i32
      %dma_wait3A_35 = arith.constant 0 : i32
      %dma_wait3A_36 = tpu.memref_slice %arg3[%arg0, %dma_wait3A_33, %dma_wait3A_34, %dma_wait3A_35] : memref<2x16x79x128xi32, #tpu.memory_space<hbm>> -> memref<1x16x79x128xi32, #tpu.memory_space<hbm>>
      %dma_wait3A_37 = tpu.memref_squeeze %dma_wait3A_36 : memref<1x16x79x128xi32, #tpu.memory_space<hbm>> -> memref<16x79x128xi32, #tpu.memory_space<hbm>>
      %dma_wait3A_38 = arith.constant 0 : i32
      %dma_wait3A_39 = arith.constant 0 : i32
      %dma_wait3A_40 = tpu.memref_slice %dma_wait3A_37[%arg1, %dma_wait3A_38, %dma_wait3A_39] : memref<16x79x128xi32, #tpu.memory_space<hbm>> -> memref<1x79x128xi32, #tpu.memory_space<hbm>>
      %dma_wait3A_41 = tpu.memref_squeeze %dma_wait3A_40 : memref<1x79x128xi32, #tpu.memory_space<hbm>> -> memref<79x128xi32, #tpu.memory_space<hbm>>
      tpu.wait_dma2 semaphore(%run_scoped3A : memref<!tpu.dma_semaphore, #tpu.memory_space<semaphore_mem>>) src(%dma_wait3A_41 : memref<79x128xi32, #tpu.memory_space<hbm>>) dst(%arg7 : memref<79x128xi32, #tpu.memory_space<vmem>>)
      tpu.yield
    }) : () -> ()
    "tpu.region"() ({
      %run_scoped3A = tpu.sem_alloc : memref<!tpu.dma_semaphore, #tpu.memory_space<semaphore_mem>>
      %dma_start3A = arith.constant 0 : i32
      %dma_start3A_8 = arith.constant 0 : i32
      %dma_start3A_9 = arith.constant 0 : i32
      %dma_start3A_10 = tpu.memref_slice %arg4[%arg0, %dma_start3A, %dma_start3A_8, %dma_start3A_9] : memref<2x16x79x128xi32, #tpu.memory_space<hbm>> -> memref<1x16x79x128xi32, #tpu.memory_space<hbm>>
      %dma_start3A_11 = tpu.memref_squeeze %dma_start3A_10 : memref<1x16x79x128xi32, #tpu.memory_space<hbm>> -> memref<16x79x128xi32, #tpu.memory_space<hbm>>
      %dma_start3A_12 = arith.constant 0 : i32
      %dma_start3A_13 = arith.constant 0 : i32
      %dma_start3A_14 = tpu.memref_slice %dma_start3A_11[%arg1, %dma_start3A_12, %dma_start3A_13] : memref<16x79x128xi32, #tpu.memory_space<hbm>> -> memref<1x79x128xi32, #tpu.memory_space<hbm>>
      %dma_start3A_15 = tpu.memref_squeeze %dma_start3A_14 : memref<1x79x128xi32, #tpu.memory_space<hbm>> -> memref<79x128xi32, #tpu.memory_space<hbm>>
      %dma_start3A_16 = arith.constant 0 : i32
      %dma_start3A_17 = arith.constant 0 : i32
      %dma_start3A_18 = arith.constant 0 : i32
      %dma_start3A_19 = tpu.memref_slice %arg4[%arg0, %dma_start3A_16, %dma_start3A_17, %dma_start3A_18] : memref<2x16x79x128xi32, #tpu.memory_space<hbm>> -> memref<1x16x79x128xi32, #tpu.memory_space<hbm>>
      %dma_start3A_20 = tpu.memref_squeeze %dma_start3A_19 : memref<1x16x79x128xi32, #tpu.memory_space<hbm>> -> memref<16x79x128xi32, #tpu.memory_space<hbm>>
      %dma_start3A_21 = arith.constant 0 : i32
      %dma_start3A_22 = arith.constant 0 : i32
      %dma_start3A_23 = tpu.memref_slice %dma_start3A_20[%arg1, %dma_start3A_21, %dma_start3A_22] : memref<16x79x128xi32, #tpu.memory_space<hbm>> -> memref<1x79x128xi32, #tpu.memory_space<hbm>>
      %dma_start3A_24 = tpu.memref_squeeze %dma_start3A_23 : memref<1x79x128xi32, #tpu.memory_space<hbm>> -> memref<79x128xi32, #tpu.memory_space<hbm>>
      tpu.enqueue_dma source(%dma_start3A_24 : memref<79x128xi32, #tpu.memory_space<hbm>>) target(%arg8 : memref<79x128xi32, #tpu.memory_space<vmem>>) target_semaphore(%run_scoped3A : memref<!tpu.dma_semaphore, #tpu.memory_space<semaphore_mem>>)
      %dma_wait3A = arith.constant 0 : i32
      %dma_wait3A_25 = arith.constant 0 : i32
      %dma_wait3A_26 = arith.constant 0 : i32
      %dma_wait3A_27 = tpu.memref_slice %arg4[%arg0, %dma_wait3A, %dma_wait3A_25, %dma_wait3A_26] : memref<2x16x79x128xi32, #tpu.memory_space<hbm>> -> memref<1x16x79x128xi32, #tpu.memory_space<hbm>>
      %dma_wait3A_28 = tpu.memref_squeeze %dma_wait3A_27 : memref<1x16x79x128xi32, #tpu.memory_space<hbm>> -> memref<16x79x128xi32, #tpu.memory_space<hbm>>
      %dma_wait3A_29 = arith.constant 0 : i32
      %dma_wait3A_30 = arith.constant 0 : i32
      %dma_wait3A_31 = tpu.memref_slice %dma_wait3A_28[%arg1, %dma_wait3A_29, %dma_wait3A_30] : memref<16x79x128xi32, #tpu.memory_space<hbm>> -> memref<1x79x128xi32, #tpu.memory_space<hbm>>
      %dma_wait3A_32 = tpu.memref_squeeze %dma_wait3A_31 : memref<1x79x128xi32, #tpu.memory_space<hbm>> -> memref<79x128xi32, #tpu.memory_space<hbm>>
      %dma_wait3A_33 = arith.constant 0 : i32
      %dma_wait3A_34 = arith.constant 0 : i32
      %dma_wait3A_35 = arith.constant 0 : i32
      %dma_wait3A_36 = tpu.memref_slice %arg4[%arg0, %dma_wait3A_33, %dma_wait3A_34, %dma_wait3A_35] : memref<2x16x79x128xi32, #tpu.memory_space<hbm>> -> memref<1x16x79x128xi32, #tpu.memory_space<hbm>>
      %dma_wait3A_37 = tpu.memref_squeeze %dma_wait3A_36 : memref<1x16x79x128xi32, #tpu.memory_space<hbm>> -> memref<16x79x128xi32, #tpu.memory_space<hbm>>
      %dma_wait3A_38 = arith.constant 0 : i32
      %dma_wait3A_39 = arith.constant 0 : i32
      %dma_wait3A_40 = tpu.memref_slice %dma_wait3A_37[%arg1, %dma_wait3A_38, %dma_wait3A_39] : memref<16x79x128xi32, #tpu.memory_space<hbm>> -> memref<1x79x128xi32, #tpu.memory_space<hbm>>
      %dma_wait3A_41 = tpu.memref_squeeze %dma_wait3A_40 : memref<1x79x128xi32, #tpu.memory_space<hbm>> -> memref<79x128xi32, #tpu.memory_space<hbm>>
      tpu.wait_dma2 semaphore(%run_scoped3A : memref<!tpu.dma_semaphore, #tpu.memory_space<semaphore_mem>>) src(%dma_wait3A_41 : memref<79x128xi32, #tpu.memory_space<hbm>>) dst(%arg8 : memref<79x128xi32, #tpu.memory_space<vmem>>)
      tpu.yield
    }) : () -> ()
    %barrier3A = arith.constant 0 : index
    tpu.barrier barrier_id(%barrier3A)
    %scan3A = arith.constant 0 : i32
    %scan3A_1 = arith.constant 79 : i32
    %scan3A_2 = arith.addi %scan3A, %scan3A_1 : i32
    %scan3A_3 = arith.constant 1 : i32
    scf.for %scan3A_8 = %scan3A to %scan3A_2 step %scan3A_3  : i32 {
      %mul3A_9 = arith.constant 1 : i32
      %mul3A_10 = arith.muli %scan3A_8, %mul3A_9 : i32
      %add3A = arith.constant 0 : i32
      %add3A_11 = arith.addi %add3A, %mul3A_10 : i32
      "tpu.region"() ({
        %run_scoped3A = tpu.sem_alloc : memref<!tpu.dma_semaphore, #tpu.memory_space<semaphore_mem>>
        %dma_start3A = arith.constant 0 : i32
        %dma_start3A_12 = tpu.memref_slice %arg7[%add3A_11, %dma_start3A] : memref<79x128xi32, #tpu.memory_space<vmem>> -> memref<1x128xi32, #tpu.memory_space<vmem>>
        %dma_start3A_13 = tpu.memref_squeeze %dma_start3A_12 : memref<1x128xi32, #tpu.memory_space<vmem>> -> memref<128xi32, #tpu.memory_space<vmem>>
        %dma_start3A_14 = arith.constant 0 : i32
        %dma_start3A_15 = arith.constant 0 : i32
        %dma_start3A_16 = tpu.memref_slice %arg2[%dma_start3A_14, %dma_start3A_15] : memref<10000x128xf32, #tpu.memory_space<hbm>> -> memref<10000x128xf32, #tpu.memory_space<hbm>>
        tpu.enqueue_indirect_dma source(%dma_start3A_16 : memref<10000x128xf32, #tpu.memory_space<hbm>>) target(%arg9 : memref<128x128xf32, #tpu.memory_space<vmem>>) offsets(%dma_start3A_13 : memref<128xi32, #tpu.memory_space<vmem>>) semaphore(%run_scoped3A : memref<!tpu.dma_semaphore, #tpu.memory_space<semaphore_mem>>)
        %dma_wait3A = arith.constant 0 : i32
        %dma_wait3A_17 = tpu.memref_slice %arg7[%add3A_11, %dma_wait3A] : memref<79x128xi32, #tpu.memory_space<vmem>> -> memref<1x128xi32, #tpu.memory_space<vmem>>
        %dma_wait3A_18 = tpu.memref_squeeze %dma_wait3A_17 : memref<1x128xi32, #tpu.memory_space<vmem>> -> memref<128xi32, #tpu.memory_space<vmem>>
        %dma_wait3A_19 = arith.constant 0 : i32
        %dma_wait3A_20 = arith.constant 0 : i32
        %dma_wait3A_21 = tpu.memref_slice %arg2[%dma_wait3A_19, %dma_wait3A_20] : memref<10000x128xf32, #tpu.memory_space<hbm>> -> memref<10000x128xf32, #tpu.memory_space<hbm>>
        tpu.wait_indirect_dma semaphore(%run_scoped3A : memref<!tpu.dma_semaphore, #tpu.memory_space<semaphore_mem>>) src(%dma_wait3A_21 : memref<10000x128xf32, #tpu.memory_space<hbm>>) dst(%arg9 : memref<128x128xf32, #tpu.memory_space<vmem>>)
        tpu.yield
      }) : () -> ()
      "tpu.region"() ({
        %run_scoped3A = tpu.sem_alloc : memref<!tpu.dma_semaphore, #tpu.memory_space<semaphore_mem>>
        %dma_start3A = arith.constant 0 : i32
        %dma_start3A_12 = tpu.memref_slice %arg8[%add3A_11, %dma_start3A] : memref<79x128xi32, #tpu.memory_space<vmem>> -> memref<1x128xi32, #tpu.memory_space<vmem>>
        %dma_start3A_13 = tpu.memref_squeeze %dma_start3A_12 : memref<1x128xi32, #tpu.memory_space<vmem>> -> memref<128xi32, #tpu.memory_space<vmem>>
        %dma_start3A_14 = arith.constant 0 : i32
        %dma_start3A_15 = arith.constant 0 : i32
        %dma_start3A_16 = tpu.memref_slice %arg10[%dma_start3A_14, %dma_start3A_15] : memref<10240x128xf32, #tpu.memory_space<vmem_shared>> -> memref<10240x128xf32, #tpu.memory_space<vmem_shared>>
        tpu.enqueue_indirect_dma source(%arg9 : memref<128x128xf32, #tpu.memory_space<vmem>>) target(%dma_start3A_16 : memref<10240x128xf32, #tpu.memory_space<vmem_shared>>) offsets(%dma_start3A_13 : memref<128xi32, #tpu.memory_space<vmem>>) semaphore(%run_scoped3A : memref<!tpu.dma_semaphore, #tpu.memory_space<semaphore_mem>>) {add = true}
        %dma_wait3A = arith.constant 0 : i32
        %dma_wait3A_17 = tpu.memref_slice %arg8[%add3A_11, %dma_wait3A] : memref<79x128xi32, #tpu.memory_space<vmem>> -> memref<1x128xi32, #tpu.memory_space<vmem>>
        %dma_wait3A_18 = tpu.memref_squeeze %dma_wait3A_17 : memref<1x128xi32, #tpu.memory_space<vmem>> -> memref<128xi32, #tpu.memory_space<vmem>>
        %dma_wait3A_19 = arith.constant 0 : i32
        %dma_wait3A_20 = arith.constant 0 : i32
        %dma_wait3A_21 = tpu.memref_slice %arg10[%dma_wait3A_19, %dma_wait3A_20] : memref<10240x128xf32, #tpu.memory_space<vmem_shared>> -> memref<10240x128xf32, #tpu.memory_space<vmem_shared>>
        tpu.wait_indirect_dma semaphore(%run_scoped3A : memref<!tpu.dma_semaphore, #tpu.memory_space<semaphore_mem>>) src(%arg9 : memref<128x128xf32, #tpu.memory_space<vmem>>) dst(%dma_wait3A_21 : memref<10240x128xf32, #tpu.memory_space<vmem_shared>>)
        tpu.yield
      }) : () -> ()
    }
    %scan3A_4 = arith.constant 79 : i32
    %barrier3A_5 = arith.constant 0 : index
    tpu.barrier barrier_id(%barrier3A_5)
    %mul3A_6 = arith.constant 640 : i32
    %mul3A_7 = arith.muli %arg1, %mul3A_6 : i32
    "tpu.region"() ({
      %run_scoped3A = tpu.sem_alloc : memref<!tpu.dma_semaphore, #tpu.memory_space<semaphore_mem>>
      %dma_start3A = arith.constant 0 : i32
      %dma_start3A_8 = arith.constant 0 : i32
      %dma_start3A_9 = tpu.memref_slice %arg6[%arg0, %dma_start3A, %dma_start3A_8] : memref<2x10240x128xf32, #tpu.memory_space<hbm>> -> memref<1x10240x128xf32, #tpu.memory_space<hbm>>
      %dma_start3A_10 = tpu.memref_squeeze %dma_start3A_9 : memref<1x10240x128xf32, #tpu.memory_space<hbm>> -> memref<10240x128xf32, #tpu.memory_space<hbm>>
      %dma_start3A_11 = arith.constant 0 : i32
      %dma_start3A_12 = tpu.memref_slice %dma_start3A_10[%mul3A_7, %dma_start3A_11] : memref<10240x128xf32, #tpu.memory_space<hbm>> -> memref<640x128xf32, #tpu.memory_space<hbm>>
      %dma_start3A_13 = arith.constant 0 : i32
      %dma_start3A_14 = tpu.memref_slice %arg10[%mul3A_7, %dma_start3A_13] : memref<10240x128xf32, #tpu.memory_space<vmem_shared>> -> memref<640x128xf32, #tpu.memory_space<vmem_shared>>
      tpu.enqueue_dma source(%dma_start3A_14 : memref<640x128xf32, #tpu.memory_space<vmem_shared>>) target(%dma_start3A_12 : memref<640x128xf32, #tpu.memory_space<hbm>>) target_semaphore(%run_scoped3A : memref<!tpu.dma_semaphore, #tpu.memory_space<semaphore_mem>>)
      %dma_wait3A = arith.constant 0 : i32
      %dma_wait3A_15 = arith.constant 0 : i32
      %dma_wait3A_16 = tpu.memref_slice %arg6[%arg0, %dma_wait3A, %dma_wait3A_15] : memref<2x10240x128xf32, #tpu.memory_space<hbm>> -> memref<1x10240x128xf32, #tpu.memory_space<hbm>>
      %dma_wait3A_17 = tpu.memref_squeeze %dma_wait3A_16 : memref<1x10240x128xf32, #tpu.memory_space<hbm>> -> memref<10240x128xf32, #tpu.memory_space<hbm>>
      %dma_wait3A_18 = arith.constant 0 : i32
      %dma_wait3A_19 = tpu.memref_slice %dma_wait3A_17[%mul3A_7, %dma_wait3A_18] : memref<10240x128xf32, #tpu.memory_space<hbm>> -> memref<640x128xf32, #tpu.memory_space<hbm>>
      %dma_wait3A_20 = arith.constant 0 : i32
      %dma_wait3A_21 = tpu.memref_slice %arg10[%mul3A_7, %dma_wait3A_20] : memref<10240x128xf32, #tpu.memory_space<vmem_shared>> -> memref<640x128xf32, #tpu.memory_space<vmem_shared>>
      tpu.wait_dma2 semaphore(%run_scoped3A : memref<!tpu.dma_semaphore, #tpu.memory_space<semaphore_mem>>) src(%dma_wait3A_21 : memref<640x128xf32, #tpu.memory_space<vmem_shared>>) dst(%dma_wait3A_19 : memref<640x128xf32, #tpu.memory_space<hbm>>)
      tpu.yield
    }) : () -> ()
    return
  }
}

#map = affine_map<(d0, d1) -> (0, 0)>
#map1 = affine_map<(d0, d1) -> (0, 0, 0, 0)>
#map2 = affine_map<(d0, d1) -> (0, 0, 0)>
module attributes {stable_mosaic.version = 14 : i64} {
  func.func @_msg_body(%arg0: i32, %arg1: i32, %arg2: memref<10000x128xf32, #tpu.memory_space<hbm>>, %arg3: memref<2x16x79x128xi32, #tpu.memory_space<hbm>>, %arg4: memref<2x16x79x128xi32, #tpu.memory_space<hbm>>, %arg5: memref<640x128xf32, #tpu.memory_space<hbm>>, %arg6: memref<2x10240x128xf32, #tpu.memory_space<hbm>>, %arg7: memref<79x128xi32, #tpu.memory_space<vmem>>, %arg8: memref<79x128xi32, #tpu.memory_space<vmem>>, %arg9: memref<128x128xf32, #tpu.memory_space<vmem>>, %arg10: memref<10240x128xf32, #tpu.memory_space<vmem_shared>>) attributes {dimension_semantics = [#tpu.dimension_semantics<core_parallel>, #tpu.dimension_semantics<subcore_parallel>], iteration_bounds = array<i64: 2, 16>, scalar_prefetch = 0 : i64, scratch_operands = 4 : i64, tpu.core_type = #tpu.core_type<sc_vector_subcore>, window_params = [{transform_indices = #map}, {transform_indices = #map1}, {transform_indices = #map1}, {transform_indices = #map}, {transform_indices = #map2}]} {
    %mul3A = arith.constant 640 : i32
    %mul3A_0 = arith.muli %arg1, %mul3A : i32
    "tpu.region"() ({
      %run_scoped3A = tpu.sem_alloc : memref<!tpu.dma_semaphore, #tpu.memory_space<semaphore_mem>>
      %dma_start3A = arith.constant 0 : i32
      %dma_start3A_8 = tpu.memref_slice %arg10[%mul3A_0, %dma_start3A] : memref<10240x128xf32, #tpu.memory_space<vmem_shared>> -> memref<640x128xf32, #tpu.memory_space<vmem_shared>>
      tpu.enqueue_dma source(%arg5 : memref<640x128xf32, #tpu.memory_space<hbm>>) target(%dma_start3A_8 : memref<640x128xf32, #tpu.memory_space<vmem_shared>>) target_semaphore(%run_scoped3A : memref<!tpu.dma_semaphore, #tpu.memory_space<semaphore_mem>>)
      %dma_wait3A = arith.constant 0 : i32
      %dma_wait3A_9 = tpu.memref_slice %arg10[%mul3A_0, %dma_wait3A] : memref<10240x128xf32, #tpu.memory_space<vmem_shared>> -> memref<640x128xf32, #tpu.memory_space<vmem_shared>>
      tpu.wait_dma2 semaphore(%run_scoped3A : memref<!tpu.dma_semaphore, #tpu.memory_space<semaphore_mem>>) src(%arg5 : memref<640x128xf32, #tpu.memory_space<hbm>>) dst(%dma_wait3A_9 : memref<640x128xf32, #tpu.memory_space<vmem_shared>>)
      tpu.yield
    }) : () -> ()
    "tpu.region"() ({
      %run_scoped3A = tpu.sem_alloc : memref<!tpu.dma_semaphore, #tpu.memory_space<semaphore_mem>>
      %dma_start3A = arith.constant 0 : i32
      %dma_start3A_8 = arith.constant 0 : i32
      %dma_start3A_9 = arith.constant 0 : i32
      %dma_start3A_10 = tpu.memref_slice %arg3[%arg0, %dma_start3A, %dma_start3A_8, %dma_start3A_9] : memref<2x16x79x128xi32, #tpu.memory_space<hbm>> -> memref<1x16x79x128xi32, #tpu.memory_space<hbm>>
      %dma_start3A_11 = tpu.memref_squeeze %dma_start3A_10 : memref<1x16x79x128xi32, #tpu.memory_space<hbm>> -> memref<16x79x128xi32, #tpu.memory_space<hbm>>
      %dma_start3A_12 = arith.constant 0 : i32
      %dma_start3A_13 = arith.constant 0 : i32
      %dma_start3A_14 = tpu.memref_slice %dma_start3A_11[%arg1, %dma_start3A_12, %dma_start3A_13] : memref<16x79x128xi32, #tpu.memory_space<hbm>> -> memref<1x79x128xi32, #tpu.memory_space<hbm>>
      %dma_start3A_15 = tpu.memref_squeeze %dma_start3A_14 : memref<1x79x128xi32, #tpu.memory_space<hbm>> -> memref<79x128xi32, #tpu.memory_space<hbm>>
      %dma_start3A_16 = arith.constant 0 : i32
      %dma_start3A_17 = arith.constant 0 : i32
      %dma_start3A_18 = arith.constant 0 : i32
      %dma_start3A_19 = tpu.memref_slice %arg3[%arg0, %dma_start3A_16, %dma_start3A_17, %dma_start3A_18] : memref<2x16x79x128xi32, #tpu.memory_space<hbm>> -> memref<1x16x79x128xi32, #tpu.memory_space<hbm>>
      %dma_start3A_20 = tpu.memref_squeeze %dma_start3A_19 : memref<1x16x79x128xi32, #tpu.memory_space<hbm>> -> memref<16x79x128xi32, #tpu.memory_space<hbm>>
      %dma_start3A_21 = arith.constant 0 : i32
      %dma_start3A_22 = arith.constant 0 : i32
      %dma_start3A_23 = tpu.memref_slice %dma_start3A_20[%arg1, %dma_start3A_21, %dma_start3A_22] : memref<16x79x128xi32, #tpu.memory_space<hbm>> -> memref<1x79x128xi32, #tpu.memory_space<hbm>>
      %dma_start3A_24 = tpu.memref_squeeze %dma_start3A_23 : memref<1x79x128xi32, #tpu.memory_space<hbm>> -> memref<79x128xi32, #tpu.memory_space<hbm>>
      tpu.enqueue_dma source(%dma_start3A_24 : memref<79x128xi32, #tpu.memory_space<hbm>>) target(%arg7 : memref<79x128xi32, #tpu.memory_space<vmem>>) target_semaphore(%run_scoped3A : memref<!tpu.dma_semaphore, #tpu.memory_space<semaphore_mem>>)
      %dma_wait3A = arith.constant 0 : i32
      %dma_wait3A_25 = arith.constant 0 : i32
      %dma_wait3A_26 = arith.constant 0 : i32
      %dma_wait3A_27 = tpu.memref_slice %arg3[%arg0, %dma_wait3A, %dma_wait3A_25, %dma_wait3A_26] : memref<2x16x79x128xi32, #tpu.memory_space<hbm>> -> memref<1x16x79x128xi32, #tpu.memory_space<hbm>>
      %dma_wait3A_28 = tpu.memref_squeeze %dma_wait3A_27 : memref<1x16x79x128xi32, #tpu.memory_space<hbm>> -> memref<16x79x128xi32, #tpu.memory_space<hbm>>
      %dma_wait3A_29 = arith.constant 0 : i32
      %dma_wait3A_30 = arith.constant 0 : i32
      %dma_wait3A_31 = tpu.memref_slice %dma_wait3A_28[%arg1, %dma_wait3A_29, %dma_wait3A_30] : memref<16x79x128xi32, #tpu.memory_space<hbm>> -> memref<1x79x128xi32, #tpu.memory_space<hbm>>
      %dma_wait3A_32 = tpu.memref_squeeze %dma_wait3A_31 : memref<1x79x128xi32, #tpu.memory_space<hbm>> -> memref<79x128xi32, #tpu.memory_space<hbm>>
      %dma_wait3A_33 = arith.constant 0 : i32
      %dma_wait3A_34 = arith.constant 0 : i32
      %dma_wait3A_35 = arith.constant 0 : i32
      %dma_wait3A_36 = tpu.memref_slice %arg3[%arg0, %dma_wait3A_33, %dma_wait3A_34, %dma_wait3A_35] : memref<2x16x79x128xi32, #tpu.memory_space<hbm>> -> memref<1x16x79x128xi32, #tpu.memory_space<hbm>>
      %dma_wait3A_37 = tpu.memref_squeeze %dma_wait3A_36 : memref<1x16x79x128xi32, #tpu.memory_space<hbm>> -> memref<16x79x128xi32, #tpu.memory_space<hbm>>
      %dma_wait3A_38 = arith.constant 0 : i32
      %dma_wait3A_39 = arith.constant 0 : i32
      %dma_wait3A_40 = tpu.memref_slice %dma_wait3A_37[%arg1, %dma_wait3A_38, %dma_wait3A_39] : memref<16x79x128xi32, #tpu.memory_space<hbm>> -> memref<1x79x128xi32, #tpu.memory_space<hbm>>
      %dma_wait3A_41 = tpu.memref_squeeze %dma_wait3A_40 : memref<1x79x128xi32, #tpu.memory_space<hbm>> -> memref<79x128xi32, #tpu.memory_space<hbm>>
      tpu.wait_dma2 semaphore(%run_scoped3A : memref<!tpu.dma_semaphore, #tpu.memory_space<semaphore_mem>>) src(%dma_wait3A_41 : memref<79x128xi32, #tpu.memory_space<hbm>>) dst(%arg7 : memref<79x128xi32, #tpu.memory_space<vmem>>)
      tpu.yield
    }) : () -> ()
    "tpu.region"() ({
      %run_scoped3A = tpu.sem_alloc : memref<!tpu.dma_semaphore, #tpu.memory_space<semaphore_mem>>
      %dma_start3A = arith.constant 0 : i32
      %dma_start3A_8 = arith.constant 0 : i32
      %dma_start3A_9 = arith.constant 0 : i32
      %dma_start3A_10 = tpu.memref_slice %arg4[%arg0, %dma_start3A, %dma_start3A_8, %dma_start3A_9] : memref<2x16x79x128xi32, #tpu.memory_space<hbm>> -> memref<1x16x79x128xi32, #tpu.memory_space<hbm>>
      %dma_start3A_11 = tpu.memref_squeeze %dma_start3A_10 : memref<1x16x79x128xi32, #tpu.memory_space<hbm>> -> memref<16x79x128xi32, #tpu.memory_space<hbm>>
      %dma_start3A_12 = arith.constant 0 : i32
      %dma_start3A_13 = arith.constant 0 : i32
      %dma_start3A_14 = tpu.memref_slice %dma_start3A_11[%arg1, %dma_start3A_12, %dma_start3A_13] : memref<16x79x128xi32, #tpu.memory_space<hbm>> -> memref<1x79x128xi32, #tpu.memory_space<hbm>>
      %dma_start3A_15 = tpu.memref_squeeze %dma_start3A_14 : memref<1x79x128xi32, #tpu.memory_space<hbm>> -> memref<79x128xi32, #tpu.memory_space<hbm>>
      %dma_start3A_16 = arith.constant 0 : i32
      %dma_start3A_17 = arith.constant 0 : i32
      %dma_start3A_18 = arith.constant 0 : i32
      %dma_start3A_19 = tpu.memref_slice %arg4[%arg0, %dma_start3A_16, %dma_start3A_17, %dma_start3A_18] : memref<2x16x79x128xi32, #tpu.memory_space<hbm>> -> memref<1x16x79x128xi32, #tpu.memory_space<hbm>>
      %dma_start3A_20 = tpu.memref_squeeze %dma_start3A_19 : memref<1x16x79x128xi32, #tpu.memory_space<hbm>> -> memref<16x79x128xi32, #tpu.memory_space<hbm>>
      %dma_start3A_21 = arith.constant 0 : i32
      %dma_start3A_22 = arith.constant 0 : i32
      %dma_start3A_23 = tpu.memref_slice %dma_start3A_20[%arg1, %dma_start3A_21, %dma_start3A_22] : memref<16x79x128xi32, #tpu.memory_space<hbm>> -> memref<1x79x128xi32, #tpu.memory_space<hbm>>
      %dma_start3A_24 = tpu.memref_squeeze %dma_start3A_23 : memref<1x79x128xi32, #tpu.memory_space<hbm>> -> memref<79x128xi32, #tpu.memory_space<hbm>>
      tpu.enqueue_dma source(%dma_start3A_24 : memref<79x128xi32, #tpu.memory_space<hbm>>) target(%arg8 : memref<79x128xi32, #tpu.memory_space<vmem>>) target_semaphore(%run_scoped3A : memref<!tpu.dma_semaphore, #tpu.memory_space<semaphore_mem>>)
      %dma_wait3A = arith.constant 0 : i32
      %dma_wait3A_25 = arith.constant 0 : i32
      %dma_wait3A_26 = arith.constant 0 : i32
      %dma_wait3A_27 = tpu.memref_slice %arg4[%arg0, %dma_wait3A, %dma_wait3A_25, %dma_wait3A_26] : memref<2x16x79x128xi32, #tpu.memory_space<hbm>> -> memref<1x16x79x128xi32, #tpu.memory_space<hbm>>
      %dma_wait3A_28 = tpu.memref_squeeze %dma_wait3A_27 : memref<1x16x79x128xi32, #tpu.memory_space<hbm>> -> memref<16x79x128xi32, #tpu.memory_space<hbm>>
      %dma_wait3A_29 = arith.constant 0 : i32
      %dma_wait3A_30 = arith.constant 0 : i32
      %dma_wait3A_31 = tpu.memref_slice %dma_wait3A_28[%arg1, %dma_wait3A_29, %dma_wait3A_30] : memref<16x79x128xi32, #tpu.memory_space<hbm>> -> memref<1x79x128xi32, #tpu.memory_space<hbm>>
      %dma_wait3A_32 = tpu.memref_squeeze %dma_wait3A_31 : memref<1x79x128xi32, #tpu.memory_space<hbm>> -> memref<79x128xi32, #tpu.memory_space<hbm>>
      %dma_wait3A_33 = arith.constant 0 : i32
      %dma_wait3A_34 = arith.constant 0 : i32
      %dma_wait3A_35 = arith.constant 0 : i32
      %dma_wait3A_36 = tpu.memref_slice %arg4[%arg0, %dma_wait3A_33, %dma_wait3A_34, %dma_wait3A_35] : memref<2x16x79x128xi32, #tpu.memory_space<hbm>> -> memref<1x16x79x128xi32, #tpu.memory_space<hbm>>
      %dma_wait3A_37 = tpu.memref_squeeze %dma_wait3A_36 : memref<1x16x79x128xi32, #tpu.memory_space<hbm>> -> memref<16x79x128xi32, #tpu.memory_space<hbm>>
      %dma_wait3A_38 = arith.constant 0 : i32
      %dma_wait3A_39 = arith.constant 0 : i32
      %dma_wait3A_40 = tpu.memref_slice %dma_wait3A_37[%arg1, %dma_wait3A_38, %dma_wait3A_39] : memref<16x79x128xi32, #tpu.memory_space<hbm>> -> memref<1x79x128xi32, #tpu.memory_space<hbm>>
      %dma_wait3A_41 = tpu.memref_squeeze %dma_wait3A_40 : memref<1x79x128xi32, #tpu.memory_space<hbm>> -> memref<79x128xi32, #tpu.memory_space<hbm>>
      tpu.wait_dma2 semaphore(%run_scoped3A : memref<!tpu.dma_semaphore, #tpu.memory_space<semaphore_mem>>) src(%dma_wait3A_41 : memref<79x128xi32, #tpu.memory_space<hbm>>) dst(%arg8 : memref<79x128xi32, #tpu.memory_space<vmem>>)
      tpu.yield
    }) : () -> ()
    %barrier3A = arith.constant 0 : index
    tpu.barrier barrier_id(%barrier3A)
    %scan3A = arith.constant 0 : i32
    %scan3A_1 = arith.constant 79 : i32
    %scan3A_2 = arith.addi %scan3A, %scan3A_1 : i32
    %scan3A_3 = arith.constant 1 : i32
    scf.for %scan3A_8 = %scan3A to %scan3A_2 step %scan3A_3  : i32 {
      %mul3A_9 = arith.constant 1 : i32
      %mul3A_10 = arith.muli %scan3A_8, %mul3A_9 : i32
      %add3A = arith.constant 0 : i32
      %add3A_11 = arith.addi %add3A, %mul3A_10 : i32
      "tpu.region"() ({
        %run_scoped3A = tpu.sem_alloc : memref<!tpu.dma_semaphore, #tpu.memory_space<semaphore_mem>>
        %dma_start3A = arith.constant 0 : i32
        %dma_start3A_12 = tpu.memref_slice %arg7[%add3A_11, %dma_start3A] : memref<79x128xi32, #tpu.memory_space<vmem>> -> memref<1x128xi32, #tpu.memory_space<vmem>>
        %dma_start3A_13 = tpu.memref_squeeze %dma_start3A_12 : memref<1x128xi32, #tpu.memory_space<vmem>> -> memref<128xi32, #tpu.memory_space<vmem>>
        %dma_start3A_14 = arith.constant 0 : i32
        %dma_start3A_15 = arith.constant 0 : i32
        %dma_start3A_16 = tpu.memref_slice %arg2[%dma_start3A_14, %dma_start3A_15] : memref<10000x128xf32, #tpu.memory_space<hbm>> -> memref<10000x128xf32, #tpu.memory_space<hbm>>
        tpu.enqueue_indirect_dma source(%dma_start3A_16 : memref<10000x128xf32, #tpu.memory_space<hbm>>) target(%arg9 : memref<128x128xf32, #tpu.memory_space<vmem>>) offsets(%dma_start3A_13 : memref<128xi32, #tpu.memory_space<vmem>>) semaphore(%run_scoped3A : memref<!tpu.dma_semaphore, #tpu.memory_space<semaphore_mem>>)
        %dma_wait3A = arith.constant 0 : i32
        %dma_wait3A_17 = tpu.memref_slice %arg7[%add3A_11, %dma_wait3A] : memref<79x128xi32, #tpu.memory_space<vmem>> -> memref<1x128xi32, #tpu.memory_space<vmem>>
        %dma_wait3A_18 = tpu.memref_squeeze %dma_wait3A_17 : memref<1x128xi32, #tpu.memory_space<vmem>> -> memref<128xi32, #tpu.memory_space<vmem>>
        %dma_wait3A_19 = arith.constant 0 : i32
        %dma_wait3A_20 = arith.constant 0 : i32
        %dma_wait3A_21 = tpu.memref_slice %arg2[%dma_wait3A_19, %dma_wait3A_20] : memref<10000x128xf32, #tpu.memory_space<hbm>> -> memref<10000x128xf32, #tpu.memory_space<hbm>>
        tpu.wait_indirect_dma semaphore(%run_scoped3A : memref<!tpu.dma_semaphore, #tpu.memory_space<semaphore_mem>>) src(%dma_wait3A_21 : memref<10000x128xf32, #tpu.memory_space<hbm>>) dst(%arg9 : memref<128x128xf32, #tpu.memory_space<vmem>>)
        tpu.yield
      }) : () -> ()
      "tpu.region"() ({
        %run_scoped3A = tpu.sem_alloc : memref<!tpu.dma_semaphore, #tpu.memory_space<semaphore_mem>>
        %dma_start3A = arith.constant 0 : i32
        %dma_start3A_12 = tpu.memref_slice %arg8[%add3A_11, %dma_start3A] : memref<79x128xi32, #tpu.memory_space<vmem>> -> memref<1x128xi32, #tpu.memory_space<vmem>>
        %dma_start3A_13 = tpu.memref_squeeze %dma_start3A_12 : memref<1x128xi32, #tpu.memory_space<vmem>> -> memref<128xi32, #tpu.memory_space<vmem>>
        %dma_start3A_14 = arith.constant 0 : i32
        %dma_start3A_15 = arith.constant 0 : i32
        %dma_start3A_16 = tpu.memref_slice %arg10[%dma_start3A_14, %dma_start3A_15] : memref<10240x128xf32, #tpu.memory_space<vmem_shared>> -> memref<10240x128xf32, #tpu.memory_space<vmem_shared>>
        tpu.enqueue_indirect_dma source(%arg9 : memref<128x128xf32, #tpu.memory_space<vmem>>) target(%dma_start3A_16 : memref<10240x128xf32, #tpu.memory_space<vmem_shared>>) offsets(%dma_start3A_13 : memref<128xi32, #tpu.memory_space<vmem>>) semaphore(%run_scoped3A : memref<!tpu.dma_semaphore, #tpu.memory_space<semaphore_mem>>) {add = true}
        %dma_wait3A = arith.constant 0 : i32
        %dma_wait3A_17 = tpu.memref_slice %arg8[%add3A_11, %dma_wait3A] : memref<79x128xi32, #tpu.memory_space<vmem>> -> memref<1x128xi32, #tpu.memory_space<vmem>>
        %dma_wait3A_18 = tpu.memref_squeeze %dma_wait3A_17 : memref<1x128xi32, #tpu.memory_space<vmem>> -> memref<128xi32, #tpu.memory_space<vmem>>
        %dma_wait3A_19 = arith.constant 0 : i32
        %dma_wait3A_20 = arith.constant 0 : i32
        %dma_wait3A_21 = tpu.memref_slice %arg10[%dma_wait3A_19, %dma_wait3A_20] : memref<10240x128xf32, #tpu.memory_space<vmem_shared>> -> memref<10240x128xf32, #tpu.memory_space<vmem_shared>>
        tpu.wait_indirect_dma semaphore(%run_scoped3A : memref<!tpu.dma_semaphore, #tpu.memory_space<semaphore_mem>>) src(%arg9 : memref<128x128xf32, #tpu.memory_space<vmem>>) dst(%dma_wait3A_21 : memref<10240x128xf32, #tpu.memory_space<vmem_shared>>)
        tpu.yield
      }) : () -> ()
    }
    %scan3A_4 = arith.constant 79 : i32
    %barrier3A_5 = arith.constant 0 : index
    tpu.barrier barrier_id(%barrier3A_5)
    %mul3A_6 = arith.constant 640 : i32
    %mul3A_7 = arith.muli %arg1, %mul3A_6 : i32
    "tpu.region"() ({
      %run_scoped3A = tpu.sem_alloc : memref<!tpu.dma_semaphore, #tpu.memory_space<semaphore_mem>>
      %dma_start3A = arith.constant 0 : i32
      %dma_start3A_8 = arith.constant 0 : i32
      %dma_start3A_9 = tpu.memref_slice %arg6[%arg0, %dma_start3A, %dma_start3A_8] : memref<2x10240x128xf32, #tpu.memory_space<hbm>> -> memref<1x10240x128xf32, #tpu.memory_space<hbm>>
      %dma_start3A_10 = tpu.memref_squeeze %dma_start3A_9 : memref<1x10240x128xf32, #tpu.memory_space<hbm>> -> memref<10240x128xf32, #tpu.memory_space<hbm>>
      %dma_start3A_11 = arith.constant 0 : i32
      %dma_start3A_12 = tpu.memref_slice %dma_start3A_10[%mul3A_7, %dma_start3A_11] : memref<10240x128xf32, #tpu.memory_space<hbm>> -> memref<640x128xf32, #tpu.memory_space<hbm>>
      %dma_start3A_13 = arith.constant 0 : i32
      %dma_start3A_14 = tpu.memref_slice %arg10[%mul3A_7, %dma_start3A_13] : memref<10240x128xf32, #tpu.memory_space<vmem_shared>> -> memref<640x128xf32, #tpu.memory_space<vmem_shared>>
      tpu.enqueue_dma source(%dma_start3A_14 : memref<640x128xf32, #tpu.memory_space<vmem_shared>>) target(%dma_start3A_12 : memref<640x128xf32, #tpu.memory_space<hbm>>) target_semaphore(%run_scoped3A : memref<!tpu.dma_semaphore, #tpu.memory_space<semaphore_mem>>)
      %dma_wait3A = arith.constant 0 : i32
      %dma_wait3A_15 = arith.constant 0 : i32
      %dma_wait3A_16 = tpu.memref_slice %arg6[%arg0, %dma_wait3A, %dma_wait3A_15] : memref<2x10240x128xf32, #tpu.memory_space<hbm>> -> memref<1x10240x128xf32, #tpu.memory_space<hbm>>
      %dma_wait3A_17 = tpu.memref_squeeze %dma_wait3A_16 : memref<1x10240x128xf32, #tpu.memory_space<hbm>> -> memref<10240x128xf32, #tpu.memory_space<hbm>>
      %dma_wait3A_18 = arith.constant 0 : i32
      %dma_wait3A_19 = tpu.memref_slice %dma_wait3A_17[%mul3A_7, %dma_wait3A_18] : memref<10240x128xf32, #tpu.memory_space<hbm>> -> memref<640x128xf32, #tpu.memory_space<hbm>>
      %dma_wait3A_20 = arith.constant 0 : i32
      %dma_wait3A_21 = tpu.memref_slice %arg10[%mul3A_7, %dma_wait3A_20] : memref<10240x128xf32, #tpu.memory_space<vmem_shared>> -> memref<640x128xf32, #tpu.memory_space<vmem_shared>>
      tpu.wait_dma2 semaphore(%run_scoped3A : memref<!tpu.dma_semaphore, #tpu.memory_space<semaphore_mem>>) src(%dma_wait3A_21 : memref<640x128xf32, #tpu.memory_space<vmem_shared>>) dst(%dma_wait3A_19 : memref<640x128xf32, #tpu.memory_space<hbm>>)
      tpu.yield
    }) : () -> ()
    return
  }
}

module attributes {stable_mosaic.version = 14 : i64} {
  func.func @_mm_body(%arg0: i32, %arg1: memref<1000x128xf32, #tpu.memory_space<vmem>>, %arg2: memref<128x128xf32, #tpu.memory_space<vmem>>, %arg3: memref<1000x128xf32, #tpu.memory_space<vmem>>) attributes {dimension_semantics = [#tpu.dimension_semantics<arbitrary>], iteration_bounds = array<i64: 10>, scalar_prefetch = 0 : i64, scratch_operands = 0 : i64, tpu.core_type = #tpu.core_type<tc>, window_params = [{transform_indices = @transform_0, window_bounds = array<i64: 1000, 128>}, {pipeline_mode = #tpu.pipeline_mode<synchronous>, transform_indices = @transform_1, window_bounds = array<i64: 128, 128>}, {transform_indices = @transform_2, window_bounds = array<i64: 1000, 128>}]} {
    %get3A = arith.constant 0 : index
    %get3A_0 = arith.constant 0 : index
    %get3A_1 = vector.load %arg1[%get3A, %get3A_0] : memref<1000x128xf32, #tpu.memory_space<vmem>>, vector<1000x128xf32>
    %get3A_2 = arith.constant 0 : index
    %get3A_3 = arith.constant 0 : index
    %get3A_4 = vector.load %arg2[%get3A_2, %get3A_3] : memref<128x128xf32, #tpu.memory_space<vmem>>, vector<128x128xf32>
    %dot_general3A = arith.constant dense<0.000000e+00> : vector<1000x128xf32>
    %dot_general3A_5 = tpu.matmul %get3A_1, %get3A_4, %dot_general3A {dimension_numbers = #tpu.dot_dimension_numbers<[1], [0], [0], [1], [0, 0, 1, 1], [], []>, transpose_lhs_hint = false} : vector<1000x128xf32>, vector<128x128xf32>, vector<1000x128xf32> -> vector<1000x128xf32>
    %swap3A = arith.constant 0 : index
    %swap3A_6 = arith.constant 0 : index
    %swap3A_7 = vector.load %arg3[%swap3A, %swap3A_6] : memref<1000x128xf32, #tpu.memory_space<vmem>>, vector<1000x128xf32>
    tpu.vector_store %arg3[%swap3A, %swap3A_6], %dot_general3A_5 {strides = array<i32>} : memref<1000x128xf32, #tpu.memory_space<vmem>>, vector<1000x128xf32>,
    return
  }
  func.func @transform_0(%arg0: i32) -> (i32, i32) {
    %c0_i32 = arith.constant 0 : i32
    %c0_i32_0 = arith.constant 0 : i32
    return %arg0, %c0_i32 : i32, i32
  }
  func.func @transform_1(%arg0: i32) -> (i32, i32) {
    %c0_i32 = arith.constant 0 : i32
    %c0_i32_0 = arith.constant 0 : i32
    %c0_i32_1 = arith.constant 0 : i32
    return %c0_i32, %c0_i32_0 : i32, i32
  }
  func.func @transform_2(%arg0: i32) -> (i32, i32) {
    %c0_i32 = arith.constant 0 : i32
    %c0_i32_0 = arith.constant 0 : i32
    return %arg0, %c0_i32 : i32, i32
  }
}

module attributes {stable_mosaic.version = 14 : i64} {
  func.func @_scale_body(%arg0: i32, %arg1: memref<1000x128xf32, #tpu.memory_space<vmem>>, %arg2: memref<2x1000x1xf32, #tpu.memory_space<vmem>>, %arg3: memref<1000x128xf32, #tpu.memory_space<vmem>>) attributes {dimension_semantics = [#tpu.dimension_semantics<arbitrary>], iteration_bounds = array<i64: 10>, scalar_prefetch = 0 : i64, scratch_operands = 0 : i64, tpu.core_type = #tpu.core_type<tc>, window_params = [{transform_indices = @transform_0, window_bounds = array<i64: 1000, 128>}, {transform_indices = @transform_1, window_bounds = array<i64: 2, 1000, 1>}, {transform_indices = @transform_2, window_bounds = array<i64: 1000, 128>}]} {
    %get3A = arith.constant 0 : index
    %get3A_0 = arith.constant 0 : index
    %get3A_1 = arith.constant 0 : index
    %get3A_2 = vector.load %arg2[%get3A, %get3A_0, %get3A_1] : memref<2x1000x1xf32, #tpu.memory_space<vmem>>, vector<2x1000x1xf32>
    %slice3A = vector.extract_strided_slice %get3A_2 {offsets = [0, 0, 0], sizes = [1, 1000, 1], strides = [1, 1, 1]} : vector<2x1000x1xf32> to vector<1x1000x1xf32>
    %squeeze3A = vector.shape_cast %slice3A : vector<1x1000x1xf32> to vector<1000x1xf32>
    %slice3A_3 = vector.extract_strided_slice %get3A_2 {offsets = [1, 0, 0], sizes = [1, 1000, 1], strides = [1, 1, 1]} : vector<2x1000x1xf32> to vector<1x1000x1xf32>
    %squeeze3A_4 = vector.shape_cast %slice3A_3 : vector<1x1000x1xf32> to vector<1000x1xf32>
    %add3A = arith.addf %squeeze3A, %squeeze3A_4 : vector<1000x1xf32>
    %add3A_5 = arith.constant 1.000000e+00 : f32
    %add3A_6 = vector.broadcast %add3A_5 : f32 to vector<1000x1xf32>
    %add3A_7 = arith.addf %add3A, %add3A_6 : vector<1000x1xf32>
    %rsqrt3A = math.rsqrt %add3A_7 : vector<1000x1xf32>
    %get3A_8 = arith.constant 0 : index
    %get3A_9 = arith.constant 0 : index
    %get3A_10 = vector.load %arg1[%get3A_8, %get3A_9] : memref<1000x128xf32, #tpu.memory_space<vmem>>, vector<1000x128xf32>
    %mul3A = vector.broadcast %rsqrt3A : vector<1000x1xf32> to vector<1000x128xf32>
    %mul3A_11 = arith.mulf %get3A_10, %mul3A : vector<1000x128xf32>
    %swap3A = arith.constant 0 : index
    %swap3A_12 = arith.constant 0 : index
    %swap3A_13 = vector.load %arg3[%swap3A, %swap3A_12] : memref<1000x128xf32, #tpu.memory_space<vmem>>, vector<1000x128xf32>
    tpu.vector_store %arg3[%swap3A, %swap3A_12], %mul3A_11 {strides = array<i32>} : memref<1000x128xf32, #tpu.memory_space<vmem>>, vector<1000x128xf32>,
    return
  }
  func.func @transform_0(%arg0: i32) -> (i32, i32) {
    %c0_i32 = arith.constant 0 : i32
    %c0_i32_0 = arith.constant 0 : i32
    return %arg0, %c0_i32 : i32, i32
  }
  func.func @transform_1(%arg0: i32) -> (i32, i32, i32) {
    %c0_i32 = arith.constant 0 : i32
    %c0_i32_0 = arith.constant 0 : i32
    %c0_i32_1 = arith.constant 0 : i32
    return %c0_i32, %arg0, %c0_i32_0 : i32, i32, i32
  }
  func.func @transform_2(%arg0: i32) -> (i32, i32) {
    %c0_i32 = arith.constant 0 : i32
    %c0_i32_0 = arith.constant 0 : i32
    return %arg0, %c0_i32 : i32, i32
  }
}

module attributes {stable_mosaic.version = 14 : i64} {
  func.func @_mid_body(%arg0: i32, %arg1: memref<2x1000x128xf32, #tpu.memory_space<vmem>>, %arg2: memref<1000x128xf32, #tpu.memory_space<vmem>>, %arg3: memref<2x1000x1xf32, #tpu.memory_space<vmem>>, %arg4: memref<1x128xf32, #tpu.memory_space<vmem>>, %arg5: memref<128x128xf32, #tpu.memory_space<vmem>>, %arg6: memref<1000x128xf32, #tpu.memory_space<vmem>>, %arg7: memref<1000x128xf32, #tpu.memory_space<vmem>>) attributes {dimension_semantics = [#tpu.dimension_semantics<arbitrary>], iteration_bounds = array<i64: 10>, scalar_prefetch = 0 : i64, scratch_operands = 0 : i64, tpu.core_type = #tpu.core_type<tc>, window_params = [{transform_indices = @transform_0, window_bounds = array<i64: 2, 1000, 128>}, {transform_indices = @transform_1, window_bounds = array<i64: 1000, 128>}, {transform_indices = @transform_2, window_bounds = array<i64: 2, 1000, 1>}, {pipeline_mode = #tpu.pipeline_mode<synchronous>, transform_indices = @transform_3, window_bounds = array<i64: 1, 128>}, {pipeline_mode = #tpu.pipeline_mode<synchronous>, transform_indices = @transform_4, window_bounds = array<i64: 128, 128>}, {transform_indices = @transform_5, window_bounds = array<i64: 1000, 128>}, {transform_indices = @transform_6, window_bounds = array<i64: 1000, 128>}]} {
    %get3A = arith.constant 0 : index
    %get3A_0 = arith.constant 0 : index
    %get3A_1 = arith.constant 0 : index
    %get3A_2 = vector.load %arg3[%get3A, %get3A_0, %get3A_1] : memref<2x1000x1xf32, #tpu.memory_space<vmem>>, vector<2x1000x1xf32>
    %slice3A = vector.extract_strided_slice %get3A_2 {offsets = [0, 0, 0], sizes = [1, 1000, 1], strides = [1, 1, 1]} : vector<2x1000x1xf32> to vector<1x1000x1xf32>
    %squeeze3A = vector.shape_cast %slice3A : vector<1x1000x1xf32> to vector<1000x1xf32>
    %slice3A_3 = vector.extract_strided_slice %get3A_2 {offsets = [1, 0, 0], sizes = [1, 1000, 1], strides = [1, 1, 1]} : vector<2x1000x1xf32> to vector<1x1000x1xf32>
    %squeeze3A_4 = vector.shape_cast %slice3A_3 : vector<1x1000x1xf32> to vector<1000x1xf32>
    %add3A = arith.addf %squeeze3A, %squeeze3A_4 : vector<1000x1xf32>
    %add3A_5 = arith.constant 1.000000e+00 : f32
    %add3A_6 = vector.broadcast %add3A_5 : f32 to vector<1000x1xf32>
    %add3A_7 = arith.addf %add3A, %add3A_6 : vector<1000x1xf32>
    %rsqrt3A = math.rsqrt %add3A_7 : vector<1000x1xf32>
    %get3A_8 = arith.constant 0 : index
    %get3A_9 = arith.constant 0 : index
    %get3A_10 = arith.constant 0 : index
    %get3A_11 = vector.load %arg1[%get3A_8, %get3A_9, %get3A_10] : memref<2x1000x128xf32, #tpu.memory_space<vmem>>, vector<1x1000x128xf32>
    %get3A_12 = vector.shape_cast %get3A_11 : vector<1x1000x128xf32> to vector<1000x128xf32>
    %get3A_13 = arith.constant 1 : index
    %get3A_14 = arith.constant 0 : index
    %get3A_15 = arith.constant 0 : index
    %get3A_16 = vector.load %arg1[%get3A_13, %get3A_14, %get3A_15] : memref<2x1000x128xf32, #tpu.memory_space<vmem>>, vector<1x1000x128xf32>
    %get3A_17 = vector.shape_cast %get3A_16 : vector<1x1000x128xf32> to vector<1000x128xf32>
    %add3A_18 = arith.addf %get3A_12, %get3A_17 : vector<1000x128xf32>
    %mul3A = vector.broadcast %rsqrt3A : vector<1000x1xf32> to vector<1000x128xf32>
    %mul3A_19 = arith.mulf %mul3A, %add3A_18 : vector<1000x128xf32>
    %get3A_20 = arith.constant 0 : index
    %get3A_21 = arith.constant 0 : index
    %get3A_22 = vector.load %arg2[%get3A_20, %get3A_21] : memref<1000x128xf32, #tpu.memory_space<vmem>>, vector<1000x128xf32>
    %div3A = vector.broadcast %add3A_7 : vector<1000x1xf32> to vector<1000x128xf32>
    %div3A_23 = arith.divf %get3A_22, %div3A : vector<1000x128xf32>
    %add3A_24 = arith.addf %mul3A_19, %div3A_23 : vector<1000x128xf32>
    %get3A_25 = arith.constant 0 : index
    %get3A_26 = arith.constant 0 : index
    %get3A_27 = vector.load %arg4[%get3A_25, %get3A_26] : memref<1x128xf32, #tpu.memory_space<vmem>>, vector<1x128xf32>
    %add3A_28 = vector.broadcast %get3A_27 : vector<1x128xf32> to vector<1000x128xf32>
    %add3A_29 = arith.addf %add3A_24, %add3A_28 : vector<1000x128xf32>
    %max3A = arith.constant 0.000000e+00 : f32
    %max3A_30 = vector.broadcast %max3A : f32 to vector<1000x128xf32>
    %max3A_31 = arith.maximumf %add3A_29, %max3A_30 : vector<1000x128xf32>
    %get3A_32 = arith.constant 0 : index
    %get3A_33 = arith.constant 0 : index
    %get3A_34 = vector.load %arg5[%get3A_32, %get3A_33] : memref<128x128xf32, #tpu.memory_space<vmem>>, vector<128x128xf32>
    %dot_general3A = arith.constant dense<0.000000e+00> : vector<1000x128xf32>
    %dot_general3A_35 = tpu.matmul %max3A_31, %get3A_34, %dot_general3A {dimension_numbers = #tpu.dot_dimension_numbers<[1], [0], [0], [1], [0, 0, 1, 1], [], []>, transpose_lhs_hint = false} : vector<1000x128xf32>, vector<128x128xf32>, vector<1000x128xf32> -> vector<1000x128xf32>
    %swap3A = arith.constant 0 : index
    %swap3A_36 = arith.constant 0 : index
    %swap3A_37 = vector.load %arg6[%swap3A, %swap3A_36] : memref<1000x128xf32, #tpu.memory_space<vmem>>, vector<1000x128xf32>
    tpu.vector_store %arg6[%swap3A, %swap3A_36], %dot_general3A_35 {strides = array<i32>} : memref<1000x128xf32, #tpu.memory_space<vmem>>, vector<1000x128xf32>,
    %mul3A_38 = vector.broadcast %rsqrt3A : vector<1000x1xf32> to vector<1000x128xf32>
    %mul3A_39 = arith.mulf %dot_general3A_35, %mul3A_38 : vector<1000x128xf32>
    %swap3A_40 = arith.constant 0 : index
    %swap3A_41 = arith.constant 0 : index
    %swap3A_42 = vector.load %arg7[%swap3A_40, %swap3A_41] : memref<1000x128xf32, #tpu.memory_space<vmem>>, vector<1000x128xf32>
    tpu.vector_store %arg7[%swap3A_40, %swap3A_41], %mul3A_39 {strides = array<i32>} : memref<1000x128xf32, #tpu.memory_space<vmem>>, vector<1000x128xf32>,
    return
  }
  func.func @transform_0(%arg0: i32) -> (i32, i32, i32) {
    %c0_i32 = arith.constant 0 : i32
    %c0_i32_0 = arith.constant 0 : i32
    %c0_i32_1 = arith.constant 0 : i32
    return %c0_i32, %arg0, %c0_i32_0 : i32, i32, i32
  }
  func.func @transform_1(%arg0: i32) -> (i32, i32) {
    %c0_i32 = arith.constant 0 : i32
    %c0_i32_0 = arith.constant 0 : i32
    return %arg0, %c0_i32 : i32, i32
  }
  func.func @transform_2(%arg0: i32) -> (i32, i32, i32) {
    %c0_i32 = arith.constant 0 : i32
    %c0_i32_0 = arith.constant 0 : i32
    %c0_i32_1 = arith.constant 0 : i32
    return %c0_i32, %arg0, %c0_i32_0 : i32, i32, i32
  }
  func.func @transform_3(%arg0: i32) -> (i32, i32) {
    %c0_i32 = arith.constant 0 : i32
    %c0_i32_0 = arith.constant 0 : i32
    %c0_i32_1 = arith.constant 0 : i32
    return %c0_i32, %c0_i32_0 : i32, i32
  }
  func.func @transform_4(%arg0: i32) -> (i32, i32) {
    %c0_i32 = arith.constant 0 : i32
    %c0_i32_0 = arith.constant 0 : i32
    %c0_i32_1 = arith.constant 0 : i32
    return %c0_i32, %c0_i32_0 : i32, i32
  }
  func.func @transform_5(%arg0: i32) -> (i32, i32) {
    %c0_i32 = arith.constant 0 : i32
    %c0_i32_0 = arith.constant 0 : i32
    return %arg0, %c0_i32 : i32, i32
  }
  func.func @transform_6(%arg0: i32) -> (i32, i32) {
    %c0_i32 = arith.constant 0 : i32
    %c0_i32_0 = arith.constant 0 : i32
    return %arg0, %c0_i32 : i32, i32
  }
}

module attributes {stable_mosaic.version = 14 : i64} {
  func.func @_fin_body(%arg0: i32, %arg1: memref<2x1000x128xf32, #tpu.memory_space<vmem>>, %arg2: memref<1000x128xf32, #tpu.memory_space<vmem>>, %arg3: memref<2x1000x1xf32, #tpu.memory_space<vmem>>, %arg4: memref<1x128xf32, #tpu.memory_space<vmem>>, %arg5: memref<1000x128xf32, #tpu.memory_space<vmem>>) attributes {dimension_semantics = [#tpu.dimension_semantics<arbitrary>], iteration_bounds = array<i64: 10>, scalar_prefetch = 0 : i64, scratch_operands = 0 : i64, tpu.core_type = #tpu.core_type<tc>, window_params = [{transform_indices = @transform_0, window_bounds = array<i64: 2, 1000, 128>}, {transform_indices = @transform_1, window_bounds = array<i64: 1000, 128>}, {transform_indices = @transform_2, window_bounds = array<i64: 2, 1000, 1>}, {pipeline_mode = #tpu.pipeline_mode<synchronous>, transform_indices = @transform_3, window_bounds = array<i64: 1, 128>}, {transform_indices = @transform_4, window_bounds = array<i64: 1000, 128>}]} {
    %get3A = arith.constant 0 : index
    %get3A_0 = arith.constant 0 : index
    %get3A_1 = arith.constant 0 : index
    %get3A_2 = vector.load %arg3[%get3A, %get3A_0, %get3A_1] : memref<2x1000x1xf32, #tpu.memory_space<vmem>>, vector<2x1000x1xf32>
    %slice3A = vector.extract_strided_slice %get3A_2 {offsets = [0, 0, 0], sizes = [1, 1000, 1], strides = [1, 1, 1]} : vector<2x1000x1xf32> to vector<1x1000x1xf32>
    %squeeze3A = vector.shape_cast %slice3A : vector<1x1000x1xf32> to vector<1000x1xf32>
    %slice3A_3 = vector.extract_strided_slice %get3A_2 {offsets = [1, 0, 0], sizes = [1, 1000, 1], strides = [1, 1, 1]} : vector<2x1000x1xf32> to vector<1x1000x1xf32>
    %squeeze3A_4 = vector.shape_cast %slice3A_3 : vector<1x1000x1xf32> to vector<1000x1xf32>
    %add3A = arith.addf %squeeze3A, %squeeze3A_4 : vector<1000x1xf32>
    %add3A_5 = arith.constant 1.000000e+00 : f32
    %add3A_6 = vector.broadcast %add3A_5 : f32 to vector<1000x1xf32>
    %add3A_7 = arith.addf %add3A, %add3A_6 : vector<1000x1xf32>
    %rsqrt3A = math.rsqrt %add3A_7 : vector<1000x1xf32>
    %get3A_8 = arith.constant 0 : index
    %get3A_9 = arith.constant 0 : index
    %get3A_10 = arith.constant 0 : index
    %get3A_11 = vector.load %arg1[%get3A_8, %get3A_9, %get3A_10] : memref<2x1000x128xf32, #tpu.memory_space<vmem>>, vector<1x1000x128xf32>
    %get3A_12 = vector.shape_cast %get3A_11 : vector<1x1000x128xf32> to vector<1000x128xf32>
    %get3A_13 = arith.constant 1 : index
    %get3A_14 = arith.constant 0 : index
    %get3A_15 = arith.constant 0 : index
    %get3A_16 = vector.load %arg1[%get3A_13, %get3A_14, %get3A_15] : memref<2x1000x128xf32, #tpu.memory_space<vmem>>, vector<1x1000x128xf32>
    %get3A_17 = vector.shape_cast %get3A_16 : vector<1x1000x128xf32> to vector<1000x128xf32>
    %add3A_18 = arith.addf %get3A_12, %get3A_17 : vector<1000x128xf32>
    %mul3A = vector.broadcast %rsqrt3A : vector<1000x1xf32> to vector<1000x128xf32>
    %mul3A_19 = arith.mulf %mul3A, %add3A_18 : vector<1000x128xf32>
    %get3A_20 = arith.constant 0 : index
    %get3A_21 = arith.constant 0 : index
    %get3A_22 = vector.load %arg2[%get3A_20, %get3A_21] : memref<1000x128xf32, #tpu.memory_space<vmem>>, vector<1000x128xf32>
    %div3A = vector.broadcast %add3A_7 : vector<1000x1xf32> to vector<1000x128xf32>
    %div3A_23 = arith.divf %get3A_22, %div3A : vector<1000x128xf32>
    %add3A_24 = arith.addf %mul3A_19, %div3A_23 : vector<1000x128xf32>
    %get3A_25 = arith.constant 0 : index
    %get3A_26 = arith.constant 0 : index
    %get3A_27 = vector.load %arg4[%get3A_25, %get3A_26] : memref<1x128xf32, #tpu.memory_space<vmem>>, vector<1x128xf32>
    %add3A_28 = vector.broadcast %get3A_27 : vector<1x128xf32> to vector<1000x128xf32>
    %add3A_29 = arith.addf %add3A_24, %add3A_28 : vector<1000x128xf32>
    %swap3A = arith.constant 0 : index
    %swap3A_30 = arith.constant 0 : index
    %swap3A_31 = vector.load %arg5[%swap3A, %swap3A_30] : memref<1000x128xf32, #tpu.memory_space<vmem>>, vector<1000x128xf32>
    tpu.vector_store %arg5[%swap3A, %swap3A_30], %add3A_29 {strides = array<i32>} : memref<1000x128xf32, #tpu.memory_space<vmem>>, vector<1000x128xf32>,
    return
  }
  func.func @transform_0(%arg0: i32) -> (i32, i32, i32) {
    %c0_i32 = arith.constant 0 : i32
    %c0_i32_0 = arith.constant 0 : i32
    %c0_i32_1 = arith.constant 0 : i32
    return %c0_i32, %arg0, %c0_i32_0 : i32, i32, i32
  }
  func.func @transform_1(%arg0: i32) -> (i32, i32) {
    %c0_i32 = arith.constant 0 : i32
    %c0_i32_0 = arith.constant 0 : i32
    return %arg0, %c0_i32 : i32, i32
  }
  func.func @transform_2(%arg0: i32) -> (i32, i32, i32) {
    %c0_i32 = arith.constant 0 : i32
    %c0_i32_0 = arith.constant 0 : i32
    %c0_i32_1 = arith.constant 0 : i32
    return %c0_i32, %arg0, %c0_i32_0 : i32, i32, i32
  }
  func.func @transform_3(%arg0: i32) -> (i32, i32) {
    %c0_i32 = arith.constant 0 : i32
    %c0_i32_0 = arith.constant 0 : i32
    %c0_i32_1 = arith.constant 0 : i32
    return %c0_i32, %c0_i32_0 : i32, i32
  }
  func.func @transform_4(%arg0: i32) -> (i32, i32) {
    %c0_i32 = arith.constant 0 : i32
    %c0_i32_0 = arith.constant 0 : i32
    return %arg0, %c0_i32 : i32, i32
  }
}

</mosaic_0001>

<sc_bundles>
// kernel: kernel.11.cloned.1.call-start
scs
__scs_entry_jumppad:
0x0: {  	(pc) =	sbr.rel $0x88, $3  }
0x1: {  	(tag) =	ssettag $0x0;
	lr =	simm.s32 $0x1  }
0x2: {  	[smem:$0x3F99] =	sst lr;
	_ =	strace $0xD0000000  }
0x3: {  	_ = 	snop  }
0x4: {  	_ = 	snop  }
0x5: {  	_ = 	snop  }
0x6: {  	_ = 	snop  }
0x7: {  	_ = 	snop  }
__scs_overlays_trampoline_lowered:
0x8: {  	[smem:$0x3FA8] =	sst s0  }
0x9: {  	[smem:$0x3FA9] =	sst s1  }
0xa: {  	[smem:$0x3FAA] =	sst s2  }
0xb: {  	[smem:$0x3FAB] =	sst s3  }
0xc: {  	[smem:$0x3FAC] =	sst s4  }
0xd: {  	[smem:$0x3FAD] =	sst s5  }
0xe: {  	[smem:$0x3FAE] =	sst s6  }
0xf: {  	[smem:$0x3FAF] =	sst s7  }
0x10: {  	[smem:$0x3FB0] =	sst s8  }
0x11: {  	[smem:$0x3FB1] =	sst s9;
	s0 =	simm.s32 @!p0 $0x0  }
0x12: {  	s1 =	sld [smem:$0x3F97];
	s0 =	simm.s32 @p0 $0x1  }
0x13: {  	[smem:$0x3FB2] =	sst s0;
	s0 =	simm.s32 @!p1 $0x0  }
0x14: {  	s2 =	sld [smem:$0x3F96];
	s0 =	simm.s32 @p1 $0x1  }
0x15: {  	[smem:$0x3FB3] =	sst s0;
	s0 =	simm.s32 @!p2 $0x0  }
0x16: {  	s3 =	sld [smem:$0x3FDB];
	s0 =	simm.s32 @p2 $0x1  }
0x17: {  	s4 =	simm.s32 $0x1BF5;
	[smem:$0x3FB5] =	sst s0  }
0x18: {  	s0 =	sld [smem:$0x3F98];
	_ =	swait.ge [sflag:s4], $0x0  }
0x19: {  	s7 =	sld [smem:$0x3F99]  }
0x1a: {  	s8 =	sadd.s32 $0xFFFFE003, lr  }
0x1b: {  	s9 =	sadd.s32 $0xFFFFFEF7, lr;
	s5 =	simm.s32 $0xFFFFFFFF;
	p2 =	slt.u32 s8, $0xFFFFF086  }
0x1c: {  	p1 =	slt.u32 s9, $0xF7A;
	s5 =	simm.s32 @!p2 $0x0  }
0x1d: {  	s5 =	simm.s32 @p1 $0x1;
	p0 =	seq.s32 s7, s2  }
0x1e: {  	s7 =	smul.u32 @!p0 $0xF7A, s2;
	p2 =	seq.s32 @!p0 s5, $0x0  }
0x1f: {  	s9 =	smul.u32 $0xF7A, s1;
	s8 =	simm.s32 @!p0 $0x1BF5;
	p2 =	por !p2, p0  }
0x20: {  	[sflag:s8] =	ssyncset.s32 @!p0 $0xFFFFF086;
	s6 =	sadd.s32 @!p0 s3, s7;
	s7 =	simm.s32 @!p0 $0x108  }
0x21: {  	s3 =	sadd.s32 s3, s9;
	s6 =	sadd.s32 @!p0 $0x88, s6;
	s7 =	simm.s32 @p2 $0x1082  }
0x22: {  	[simem:s7], [sflag:s8] =	dma.local @!p0 [hbm:s6], $0xF7A  }
0x23: {  	s9 =	sor.u32 $0xD0000000, s2;
	s6 =	simm.s32 $0x108;
	_ =	swait.ge @!p0 [sflag:s8], $0x0  }
0x24: {  	s3 =	sadd.s32 $0x88, s3;
	s6 =	simm.s32 @!p1 $0x1082;
	[sflag:s4] =	ssyncset.s32 $0xFFFFF086  }
0x25: {  	[simem:s6], [sflag:s4] =	dma.local [hbm:s3], $0xF7A  }
0x26: {  	[smem:$0x3F99] =	sst s1;
	(tag) =	ssettag s2;
	_ =	strace s9  }
0x27: {  	s1 =	sld [smem:$0x3FA9]  }
0x28: {  	s2 =	sld [smem:$0x3FAA]  }
0x29: {  	s4 =	sld [smem:$0x3FAC]  }
0x2a: {  	p0 =	seq.s32 s5, $0x0;
	s5 =	sld [smem:$0x3FAD]  }
0x2b: {  	s6 =	sld [smem:$0x3FAE]  }
0x2c: {  	s7 =	sld [smem:$0x3FAF]  }
0x2d: {  	s3 =	simm.s32 $0x108;
	s8 =	sld [smem:$0x3FB0]  }
0x2e: {  	s3 =	simm.s32 @!p0 $0x1082;
	s9 =	sld [smem:$0x3FB1]  }
0x2f: {  	lr =	sadd.s32 s0, s3;
	s0 =	sld [smem:$0x3FA8]  }
0x30: {  	s3 =	sld [smem:$0x3FAB]  }
0x31: {  	[smem:$0x3FB4] =	sst s10  }
0x32: {  	s10 =	sld [smem:$0x3FB2];
	_ =	sdelay $0x3  }
0x33: {  	p0 =	seq.s32 s10, $0x1;
	s10 =	sld [smem:$0x3FB4];
	_ =	sdelay $0x3  }
0x34: {  	[smem:$0x3FB4] =	sst s10  }
0x35: {  	s10 =	sld [smem:$0x3FB3];
	_ =	sdelay $0x3  }
0x36: {  	p1 =	seq.s32 s10, $0x1;
	s10 =	sld [smem:$0x3FB4];
	_ =	sdelay $0x3  }
0x37: {  	[smem:$0x3FB4] =	sst s10  }
0x38: {  	s10 =	sld [smem:$0x3FB5]  }
0x39: {  	_ = 	snop;
	(pc) =	sbr.ind lr, $3  }
0x3a: {  	_ = 	snop  }
0x3b: {  	_ = 	snop  }
0x3c: {  	p2 =	seq.s32 s10, $0x1;
	s10 =	sld [smem:$0x3FB4]  }
0x3d: {  	_ =	shalt  }
0x3e: {  	_ =	shalt  }
0x3f: {  	_ =	shalt  }
0x40: {  	_ =	shalt  }
0x41: {  	_ =	shalt  }
0x42: {  	_ =	shalt  }
0x43: {  	_ =	shalt  }
0x44: {  	_ =	shalt  }
0x45: {  	_ =	shalt  }
0x46: {  	_ =	shalt  }
0x47: {  	_ =	shalt  }
0x48: {  	_ =	shalt  }
0x49: {  	_ =	shalt  }
0x4a: {  	_ =	shalt  }
0x4b: {  	_ =	shalt  }
0x4c: {  	_ =	shalt  }
0x4d: {  	_ =	shalt  }
0x4e: {  	_ =	shalt  }
0x4f: {  	_ =	shalt  }
0x50: {  	_ =	shalt  }
0x51: {  	_ =	shalt  }
0x52: {  	_ =	shalt  }
0x53: {  	_ =	shalt  }
0x54: {  	_ =	shalt  }
0x55: {  	_ =	shalt  }
0x56: {  	_ =	shalt  }
0x57: {  	_ =	shalt  }
0x58: {  	_ =	shalt  }
0x59: {  	_ =	shalt  }
0x5a: {  	_ =	shalt  }
0x5b: {  	_ =	shalt  }
0x5c: {  	_ =	shalt  }
0x5d: {  	_ =	shalt  }
0x5e: {  	_ =	shalt  }
0x5f: {  	_ =	shalt  }
0x60: {  	_ =	shalt  }
0x61: {  	_ =	shalt  }
0x62: {  	_ =	shalt  }
0x63: {  	_ =	shalt  }
0x64: {  	_ =	shalt  }
0x65: {  	_ =	shalt  }
0x66: {  	_ =	shalt  }
0x67: {  	_ =	shalt  }
0x68: {  	_ =	shalt  }
0x69: {  	_ =	shalt  }
0x6a: {  	_ =	shalt  }
0x6b: {  	_ =	shalt  }
0x6c: {  	_ =	shalt  }
0x6d: {  	_ =	shalt  }
0x6e: {  	_ =	shalt  }
0x6f: {  	_ =	shalt  }
0x70: {  	_ =	shalt  }
0x71: {  	_ =	shalt  }
0x72: {  	_ =	shalt  }
0x73: {  	_ =	shalt  }
0x74: {  	_ =	shalt  }
0x75: {  	_ =	shalt  }
0x76: {  	_ =	shalt  }
0x77: {  	_ =	shalt  }
0x78: {  	_ =	shalt  }
0x79: {  	_ =	shalt  }
0x7a: {  	_ =	shalt  }
0x7b: {  	_ =	shalt  }
0x7c: {  	_ =	shalt  }
0x7d: {  	_ =	shalt  }
0x7e: {  	_ =	shalt  }
0x7f: {  	_ =	shalt  }
0x80: {  	_ =	shalt  }
0x81: {  	_ =	shalt  }
0x82: {  	_ =	shalt  }
0x83: {  	_ =	shalt  }
0x84: {  	_ =	shalt  }
0x85: {  	_ =	shalt  }
0x86: {  	_ =	shalt  }
0x87: {  	_ =	shalt  }
.Lfunc_end0:
.L_simem_size_0:
called_computation_lowered:
.L_overlay_start_0:
0x88: {  	s2 =	sld [smem:$0x3FD9]  }
0x89: {  	s3 =	sld [smem:$0x3FFE];
	_ =	sdelay $0x1  }
0x8a: {  	s1 =	srdreg.scid  }
0x8b: {  	s0 =	sand.u32 $0x1, s1  }
0x8c: {  	s17 =	sshll.u32 s0, $0xA;
	s2 =	sadd.s32 s3, s2  }
0x8d: {  	s2 =	sadd.s32 s2, s17  }
0x8e: {  	[smem:$0x3FC0] =	sst s2  }
0x8f: {  	_ = 	snop  }
0x90: {  	s2 =	sld [smem:$0x3FD0];
	(tm) =	ssettm $0x1  }
0x91: {  	s18 =	sld [smem:$0x3FFB];
	_ =	sdelay $0x3  }
0x92: {  	_ =	strace s18  }
0x93: {  	s3 =	sld [smem:$0x3FFC];
	_ =	sdelay $0x3  }
0x94: {  	_ =	strace s3  }
0x95: {  	s3 =	sld [smem:$0x3FFD];
	_ =	sdelay $0x3  }
0x96: {  	_ =	strace s3  }
0x97: {  	_ =	strace $0x8FFFFFFF  }
0x98: {  	s19 =	sld [smem:$0x3FDB];
	_ =	sdelay $0x1  }
0x99: {  	s4 =	simm.s32 $_scs_section_size  }
0x9a: {  	s5 =	simm.s32 $_size__tile_overlayer_lowered;
	s6 =	simm.s32 $_tile_overlayer_lowered  }
0x9b: {  	s22 =	simm.s32 $0x1BFF;
	s21 =	sshll.u32 s6, $0x1;
	s3 =	sadd.s32 s4, s19  }
0x9c: {  	s7 =	simm.s32 $0x0;
	s20 =	sshll.u32 s5, $0x1;
	s5 =	sadd.s32 s21, s3  }
0x9d: {  	[timem:s7], [sflag:s22] =	dma.local [hbm:s5], s20  }
0x9e: {  	_ =	swait.ge [sflag:s22], s20  }
0x9f: {  	s4 =	ssub.s32 $0x0, s20;
	[sflag:s22] =	ssyncset.done $0x0  }
0xa0: {  	[sflag:s22] =	ssyncadd.s32 s4;
	_ =	sdelay $0x1  }
0xa1: {  	s23 =	simm.s32 $0x1B8B  }
0xa2: {  	_ =	swait.ge [sflag:s23], $0x1  }
0xa3: {  	[sflag:s23] =	ssyncset.done $0x0  }
0xa4: {  	s25 =	simm.s32 $0x1B8E;
	s24 =	sld [smem:$0x3FFE];
	[sflag:s23] =	ssyncadd.s32 $0xFFFFFFFF  }
0xa5: {  	s26 =	simm.s32 $execute0_lowered;
	[smem:$0x3FD2] =	sst s25  }
0xa6: {  	s5 =	sshll.u32 s26, $0x1;
	_ =	strace $0x80000046;
	[dreg:$0x1] =	wrdreg $0xFFFFFFFF  }
0xa7: {  	s28 =	simm.s32 $_size_execute0_lowered;
	s3 =	sadd.s32 s3, s5;
	[dreg:$0x0] =	wrdreg $0x0  }
0xa8: {  	s5 =	sshll.u32 s28, $0x1;
	[dreg:$0x2] =	wrdreg s3  }
0xa9: {  	[dreg:$0x3] =	wrdreg s5  }
0xaa: {  	[dreg:$0x4] =	wrdreg $0xC0  }
0xab: {  	_ =	task [dreg:s7], $0x5FFFF  }
0xac: {  	[dreg:$0x1] =	wrdreg $0xFFFFFFFF  }
0xad: {  	[dreg:$0x0] =	wrdreg $0x60  }
0xae: {  	[dreg:$0x2] =	wrdreg s24  }
0xaf: {  	[dreg:$0x3] =	wrdreg s2  }
0xb0: {  	[dreg:$0x4] =	wrdreg $0x7A800  }
0xb1: {  	[dreg:$0x5] =	wrdreg $0x9  }
0xb2: {  	_ =	task.clear_ibuf [dreg:s7], $0x6FFFF;
	_ =	strace $0x90000046  }
0xb3: {  	s29 =	simm.s32 $0x9;
	_ =	strace $0x80000048  }
0xb4: {  	_ =	swait.ge [sflag:s29], $0x1  }
0xb5: {  	[sflag:s29] =	ssyncadd.s32 $0xFFFFFFFF  }
0xb6: {  	_ =	strace $0x90000048  }
0xb7: {  	_ =	sfence  }
0xb8: {  	s30 =	sld [smem:$0x0];
	_ =	sdelay $0x2  }
0xb9: {  	s31 =	sshll.u32 s1, $0xD;
	s1 =	sshrl.u32 s1, $0x2  }
0xba: {  	s3 =	sand.u32 $0x4000, s31;
	s1 =	sadd.s32 s1, s30  }
0xbb: {  	s0 =	sor.u32 s3, s0;
	s1 =	sshll.u32 s1, $0x11  }
0xbc: {  	s0 =	sor.u32 s1, s0  }
0xbd: {  	s0 =	sadd.s32 $0x8F2B, s0  }
0xbe: {  	[sflag:s0] =	ssyncadd.remote.s32 $0x1  }
0xbf: {  	_ =	sfence.sel $0xFFFF  }
0xc0: {  	[dreg:$0x0] =	wrdreg $0xFFFFFFFF;
	(pc) =	sbr.abs _section_cstart, $3  }
0xc1: {  	[dreg:$0x1] =	wrdreg $0xFFFFFFFF  }
0xc2: {  	_ =	task.clear_ibuf [dreg:s7], $0x2FFFF;
	_ =	strace $0x9FFFFFFF  }
0xc3: {  	(tm) =	ssettm $0x7FFFFFFF  }
tec
execute0_lowered:
.L_overlay_start_1:
0x0: {  	(tag) =	ssettag $0x1  }
0x1: {  	s3 =	rddreg [dreg:$0x0]  }
0x2: {  	s6 =	rddreg [dreg:$0x1]  }
0x3: {  	s5 =	rddreg [dreg:$0x2];
	s1 =	srdreg.scid  }
0x4: {  	s0 =	rddreg [dreg:$0x3];
	s4 =	sand.u32 $0x1, s1  }
0x5: {  	s1 =	stileid.u32;
	s7 =	smul.u32 $0x5000, s4  }
0x6: {  	s2 =	simm.s32 $0x0;
	s14 =	simm.s32 $0x14000;
	s11 =	smul.u32 $0x280, s1  }
0x7: {  	s15 =	simm.s32 $0x5000;
	s16 =	simm.s32 $0x7800;
	s29 =	smul.u32 $0x5000, s1  }
0x8: {  	s17 =	simm.s32 $0x0;
	s9 =	ssub.s32 $0x2, s4;
	s4 =	smul.u32 $0x2800, s4  }
0x9: {  	[smem:$0x7FF] =	sst s2;
	s8 =	sshrl.u32 s1, $0x3;
	s13 =	smul.u32 $0x500, s1  }
0xa: {  	_ =	strace $0x80000047;
	s30 =	sshll.u32 s1, $0x7;
	s8 =	smul.u32 $0x50000, s8  }
0xb: {  	s10 =	sshrl.u32 s9, $0x1;
	s7 =	sadd.s32 s7, s3;
	s3 =	sadd.s32 $0xCA00, s3  }
0xc: {  	s9 =	ssub.s32 s9, s10;
	s10 =	sshrl.u32 s29, $0x2;
	s11 =	sadd.s32 s11, s4  }
0xd: {  	s12 =	sadd.s32 $0x2A00, s7;
	s7 =	sand.u32 $0x380, s30;
	s8 =	sshrl.u32 s8, $0x2  }
0xe: {  	s31 =	sshrl.u32 s11, $0x3;
	s11 =	simm.s32 $0x80;
	s8 =	sadd.s32 s8, s5  }
0xf: {  	s5 =	sadd.s32 s10, s5;
	s6 =	sadd.s32 s6, s31;
	s10 =	sadd.s32 s13, s12  }
0x10: {  	s12 =	simm.s32 $0x400;
	s13 =	simm.s32 $0x1400;
	s4 =	sadd.s32 s7, s8  }
0x11: {  	v0 =	vimm.f32 $1.000000000e+00;
	s7 =	smax.u32 s9, $0x1;
	s8 =	simm.s32 $0x2800;
	s9 =	simm.s32 $0x1  }
.LBB2_1:
0x12: {  	[tilespmem:s8], [sflag:$0x1] =	stream.linear.gather [hbm4b:s3+s2], $0x2800, $0x38;
	[tilespmem:$0xA280] =	vst v63  }
0x13: {  	_ =	swait.ge [sflag:s9], $0x2800  }
0x14: {  	[sflag:s9] =	ssyncset.done $0x0  }
0x15: {  	[sflag:s9] =	ssyncadd.s32 $0xFFFFD800  }
0x16: {  	[tilespmem:s2], [sflag:$0x1] =	stream.linear.gather [hbm4b:s10+s2], $0x2780, $0x38;
	[tilespmem:$0xA280] =	vst v63  }
0x17: {  	_ =	swait.ge [sflag:s9], $0x2780  }
0x18: {  	[sflag:s9] =	ssyncset.done $0x0  }
0x19: {  	s18 =	simm.s32 $0x1C0;
	[sflag:s9] =	ssyncadd.s32 $0xFFFFD880  }
.LBB2_2:
0x1a: {  	s19 =	sshra.s32 s18, $0x2  }
0x1b: {  	v1 =	vld [tilespmem:s19+$0xFFFFFF90];
	_ =	sdelay $0x7  }
0x1c: {  	[tilespmem:v1+s8+$0x0] =	vst.idx.add.f32.msk $0xffff, v0  }
0x1d: {  	v1 =	vld [tilespmem:s19+$0xFFFFFFA0];
	_ =	sdelay $0x7  }
0x1e: {  	[tilespmem:v1+s8+$0x0] =	vst.idx.add.f32.msk $0xffff, v0  }
0x1f: {  	v1 =	vld [tilespmem:s19+$0xFFFFFFB0];
	_ =	sdelay $0x7  }
0x20: {  	[tilespmem:v1+s8+$0x0] =	vst.idx.add.f32.msk $0xffff, v0  }
0x21: {  	v1 =	vld [tilespmem:s19+$0xFFFFFFC0];
	_ =	sdelay $0x7  }
0x22: {  	[tilespmem:v1+s8+$0x0] =	vst.idx.add.f32.msk $0xffff, v0  }
0x23: {  	v1 =	vld [tilespmem:s19+$0xFFFFFFD0];
	_ =	sdelay $0x7  }
0x24: {  	[tilespmem:v1+s8+$0x0] =	vst.idx.add.f32.msk $0xffff, v0  }
0x25: {  	v1 =	vld [tilespmem:s19+$0xFFFFFFE0];
	_ =	sdelay $0x7  }
0x26: {  	[tilespmem:v1+s8+$0x0] =	vst.idx.add.f32.msk $0xffff, v0  }
0x27: {  	v1 =	vld [tilespmem:s19+$0xFFFFFFF0];
	_ =	sdelay $0x7  }
0x28: {  	[tilespmem:v1+s8+$0x0] =	vst.idx.add.f32.msk $0xffff, v0  }
0x29: {  	v1 =	vld [tilespmem:s19+$0x0];
	_ =	sdelay $0x2  }
0x2a: {  	p0 =	sne.s32 s18, $0x9DC0  }
.Ltmp0:
0x2b: {  	_ = 	snop;
	(pc) =	sbr.rel @p0 .LBB2_2-.Ltmp0, $2  }
0x2c: {  	_ =	sdelay $0x2  }
0x2d: {  	s18 =	sadd.s32 $0x200, s18;
	[tilespmem:v1+s8+$0x0] =	vst.idx.add.f32.msk $0xffff, v0  }
0x2e: {  	[spmem:s4] =	stream.strided.scatter [tilespmem:s8], [sflag:$0x1], $0x2800, s12, s11, $0x38;
	[tilespmem:$0xA280] =	vst v63  }
0x2f: {  	_ =	swait.ge [sflag:s9], $0x2800  }
0x30: {  	[sflag:s9] =	ssyncset.done $0x0  }
0x31: {  	[sflag:s9] =	ssyncadd.s32 $0xFFFFD800  }
0x32: {  	[bflag:$0x0] =	sbarrier.arrive $0xFFFF  }
0x33: {  	[tilespmem:s15], [sflag:$0x1] =	stream.strided.gather [spmem:s5], $0x2800, s14, s13, $0x38;
	[tilespmem:$0xA280] =	vst v63  }
0x34: {  	s18 =	simm.s32 $0x0;
	_ =	swait.ge [sflag:s9], $0x2800  }
0x35: {  	s19 =	sand.u32 $0x70, s18;
	s18 =	sand.u32 $0x1C00, s18;
	[sflag:s9] =	ssyncset.done $0x0  }
0x36: {  	s18 =	sor.u32 s19, s18;
	[sflag:s9] =	ssyncadd.s32 $0xFFFFD800  }
0x37: {  	v1 =	vld [tilespmem:s18+$0x5000];
	_ =	sdelay $0x1  }
0x38: {  	v2 =	vld [tilespmem:s18+$0x5080];
	_ =	sdelay $0x1  }
0x39: {  	v3 =	vld [tilespmem:s18+$0x5100]  }
0x3a: {  	v1 =	vadd.f32 $0.0e+00, v1  }
0x3b: {  	v4 =	vld [tilespmem:s18+$0x5180]  }
0x3c: {  	v1 =	vadd.f32 v2, v1  }
0x3d: {  	v2 =	vld [tilespmem:s18+$0x5200]  }
0x3e: {  	v1 =	vadd.f32 v3, v1  }
0x3f: {  	v3 =	vld [tilespmem:s18+$0x5280]  }
0x40: {  	v1 =	vadd.f32 v4, v1  }
0x41: {  	v60 =	vld [tilespmem:s18+$0x5300]  }
0x42: {  	v1 =	vadd.f32 v2, v1  }
0x43: {  	v2 =	vld [tilespmem:s18+$0x5380]  }
0x44: {  	v1 =	vadd.f32 v3, v1  }
0x45: {  	v3 =	vld [tilespmem:s18+$0x6400]  }
0x46: {  	v1 =	vadd.f32 v60, v1  }
0x47: {  	v61 =	vld [tilespmem:s18+$0x6480]  }
0x48: {  	v1 =	vadd.f32 v2, v1  }
0x49: {  	v2 =	vld [tilespmem:s18+$0x6500]  }
0x4a: {  	v1 =	vadd.f32 v3, v1  }
0x4b: {  	v3 =	vld [tilespmem:s18+$0x6580]  }
0x4c: {  	v1 =	vadd.f32 v61, v1  }
0x4d: {  	v62 =	vld [tilespmem:s18+$0x6600]  }
0x4e: {  	v1 =	vadd.f32 v2, v1  }
0x4f: {  	v2 =	vld [tilespmem:s18+$0x6680]  }
0x50: {  	v1 =	vadd.f32 v3, v1  }
0x51: {  	v3 =	vld [tilespmem:s18+$0x6700]  }
0x52: {  	v1 =	vadd.f32 v62, v1  }
0x53: {  	v63 =	vld [tilespmem:s18+$0x6780]  }
0x54: {  	v1 =	vadd.f32 v2, v1;
	_ =	sdelay $0x1  }
0x55: {  	v1 =	vadd.f32 v3, v1  }
0x56: {  	s20 =	simm.s32 $0x10  }
0x57: {  	s21 =	sand.u32 $0x70, s20;
	s19 =	simm.s32 $0x80;
	v1 =	vadd.f32 v63, v1  }
0x58: {  	s20 =	simm.s32 $0x20;
	s22 =	sand.u32 $0x1C00, s19;
	s18 =	simm.s32 $0x7800  }
.LBB2_4:
0x59: {  	p0 =	sne.s32 s20, $0x270;
	s21 =	sor.u32 s21, s22;
	[tilespmem:s18+$0x0] =	vst v1  }
0x5a: {  	v1 =	vld [tilespmem:s21+$0x5000];
	_ =	sdelay $0x1  }
0x5b: {  	v2 =	vld [tilespmem:s21+$0x5080];
	_ =	sdelay $0x1  }
0x5c: {  	v3 =	vld [tilespmem:s21+$0x5100]  }
0x5d: {  	v1 =	vadd.f32 $0.0e+00, v1  }
0x5e: {  	v4 =	vld [tilespmem:s21+$0x5180]  }
0x5f: {  	v1 =	vadd.f32 v2, v1  }
0x60: {  	v2 =	vld [tilespmem:s21+$0x5200]  }
0x61: {  	v1 =	vadd.f32 v3, v1  }
0x62: {  	v3 =	vld [tilespmem:s21+$0x5280]  }
0x63: {  	v1 =	vadd.f32 v4, v1  }
0x64: {  	v4 =	vld [tilespmem:s21+$0x5300]  }
0x65: {  	v1 =	vadd.f32 v2, v1  }
0x66: {  	v2 =	vld [tilespmem:s21+$0x5380]  }
0x67: {  	v1 =	vadd.f32 v3, v1  }
0x68: {  	v3 =	vld [tilespmem:s21+$0x6400]  }
0x69: {  	v1 =	vadd.f32 v4, v1  }
0x6a: {  	v4 =	vld [tilespmem:s21+$0x6480]  }
0x6b: {  	v1 =	vadd.f32 v2, v1  }
0x6c: {  	v2 =	vld [tilespmem:s21+$0x6500]  }
0x6d: {  	v1 =	vadd.f32 v3, v1  }
0x6e: {  	v3 =	vld [tilespmem:s21+$0x6580]  }
0x6f: {  	v1 =	vadd.f32 v4, v1  }
0x70: {  	v4 =	vld [tilespmem:s21+$0x6600]  }
0x71: {  	v1 =	vadd.f32 v2, v1  }
0x72: {  	v2 =	vld [tilespmem:s21+$0x6680]  }
0x73: {  	v1 =	vadd.f32 v3, v1  }
0x74: {  	v3 =	vld [tilespmem:s21+$0x6700]  }
0x75: {  	v1 =	vadd.f32 v4, v1  }
0x76: {  	v4 =	vld [tilespmem:s21+$0x6780]  }
0x77: {  	v1 =	vadd.f32 v2, v1  }
.Ltmp1:
0x78: {  	(pc) =	sbr.rel @p0 .LBB2_4-.Ltmp1, $3  }
0x79: {  	v1 =	vadd.f32 v3, v1;
	_ =	sdelay $0x1  }
0x7a: {  	s19 =	sadd.s32 $0x80, s19;
	s18 =	sadd.s32 $0x10, s18;
	v1 =	vadd.f32 v4, v1  }
0x7b: {  	s22 =	sand.u32 $0x1C00, s19;
	s21 =	sand.u32 $0x70, s20;
	s20 =	sadd.s32 $0x10, s20  }
0x7c: {  	s19 =	sor.u32 s21, s22;
	[tilespmem:s18+$0x0] =	vst v1  }
0x7d: {  	v1 =	vld [tilespmem:s19+$0x5000];
	_ =	sdelay $0x1  }
0x7e: {  	v2 =	vld [tilespmem:s19+$0x5080];
	_ =	sdelay $0x1  }
0x7f: {  	v3 =	vld [tilespmem:s19+$0x5100]  }
0x80: {  	v1 =	vadd.f32 $0.0e+00, v1  }
0x81: {  	v4 =	vld [tilespmem:s19+$0x5180]  }
0x82: {  	v1 =	vadd.f32 v2, v1  }
0x83: {  	v2 =	vld [tilespmem:s19+$0x5200]  }
0x84: {  	v1 =	vadd.f32 v3, v1  }
0x85: {  	v3 =	vld [tilespmem:s19+$0x5280]  }
0x86: {  	v1 =	vadd.f32 v4, v1  }
0x87: {  	v60 =	vld [tilespmem:s19+$0x5300]  }
0x88: {  	v1 =	vadd.f32 v2, v1  }
0x89: {  	v2 =	vld [tilespmem:s19+$0x5380]  }
0x8a: {  	v1 =	vadd.f32 v3, v1  }
0x8b: {  	v3 =	vld [tilespmem:s19+$0x6400]  }
0x8c: {  	v1 =	vadd.f32 v60, v1  }
0x8d: {  	v61 =	vld [tilespmem:s19+$0x6480]  }
0x8e: {  	v1 =	vadd.f32 v2, v1  }
0x8f: {  	v2 =	vld [tilespmem:s19+$0x6500]  }
0x90: {  	v1 =	vadd.f32 v3, v1  }
0x91: {  	v3 =	vld [tilespmem:s19+$0x6580]  }
0x92: {  	v1 =	vadd.f32 v61, v1  }
0x93: {  	v62 =	vld [tilespmem:s19+$0x6600]  }
0x94: {  	v1 =	vadd.f32 v2, v1  }
0x95: {  	v2 =	vld [tilespmem:s19+$0x6680]  }
0x96: {  	v1 =	vadd.f32 v3, v1  }
0x97: {  	v3 =	vld [tilespmem:s19+$0x6700]  }
0x98: {  	v1 =	vadd.f32 v62, v1  }
0x99: {  	v63 =	vld [tilespmem:s19+$0x6780]  }
0x9a: {  	v1 =	vadd.f32 v2, v1;
	_ =	sdelay $0x1  }
0x9b: {  	v1 =	vadd.f32 v3, v1;
	_ =	sdelay $0x1  }
0x9c: {  	s17 =	sadd.s32 $0x1, s17;
	v1 =	vadd.f32 v63, v1  }
0x9d: {  	s31 =	sadd.s32 $0x10, s18;
	p0 =	sne.s32 s17, s7  }
.Ltmp2:
0x9e: {  	[tilespmem:s31+$0x0] =	vst v1;
	(pc) =	sbr.rel @p0 .LBB2_1-.Ltmp2, $4  }
0x9f: {  	[hbm4b:s6+s2] =	stream.linear.scatter [tilespmem:s16], [sflag:$0x1], $0x280, $0x38;
	[tilespmem:$0xA280] =	vst v63  }
0xa0: {  	_ =	swait.ge [sflag:s9], $0x280  }
0xa1: {  	[sflag:s9] =	ssyncset.done $0x0  }
0xa2: {  	[sflag:s9] =	ssyncadd.s32 $0xFFFFFD80  }
0xa3: {  	_ =	sfence.sel $0x180000  }
0xa4: {  	[bflag:$0x0] =	sbarrier.arrive $0xFFFF  }
0xa5: {  	p0 =	sne.s32 s1, $0x0;
	_ =	strace $0x90000047  }
0xa6: {  	s0 =	sadd.s32 @!p0 $0x100000, s0;
	[bflag:$0x2] =	sbarrier.arrive $0xFFFF  }
0xa7: {  	[sflag:s0] =	ssyncadd.tile.s32 @!p0 $0x1;
	_ =	shalt  }
.Lfunc_end2:
_tile_overlayer_lowered:
.L_overlay_start_2:
0xa8: {  	(tag) =	ssettag $0x2  }
0xa9: {  	s0 =	rddreg [dreg:$0x0];
	s2 =	stileid.u32  }
0xaa: {  	s1 =	rddreg [dreg:$0x1];
	p0 =	sne.s32 s2, $0x0  }
0xab: {  	s3 =	rddreg [dreg:$0x2];
	[bflag:$0x3] =	sbarrier.arrive $0xFFFF;
	s2 =	simm.s32 @!p0 $0x1C01  }
0xac: {  	[timem:s3], [sflag:s2] =	dma.local @!p0 [hbm:s0], s1  }
0xad: {  	s0 =	simm.s32 @!p0 $0x1  }
0xae: {  	_ =	swait.ge @!p0 [sflag:s0], s1  }
0xaf: {  	s1 =	ssub.s32 @!p0 $0x0, s1;
	[sflag:s0] =	ssyncset.done @!p0 $0x0  }
0xb0: {  	[sflag:s0] =	ssyncadd.s32 @!p0 s1  }
0xb1: {  	[bflag:$0x3] =	sbarrier.arrive $0xFFFF  }
0xb2: {  	_ =	shalt  }

// kernel: kernel.14.cloned.1.call-start
scs
__scs_entry_jumppad:
0x0: {  	(pc) =	sbr.rel $0x88, $3  }
0x1: {  	(tag) =	ssettag $0x0;
	lr =	simm.s32 $0x1  }
0x2: {  	[smem:$0x3F99] =	sst lr;
	_ =	strace $0xD0000000  }
0x3: {  	_ = 	snop  }
0x4: {  	_ = 	snop  }
0x5: {  	_ = 	snop  }
0x6: {  	_ = 	snop  }
0x7: {  	_ = 	snop  }
__scs_overlays_trampoline_lowered:
0x8: {  	[smem:$0x3FA8] =	sst s0  }
0x9: {  	[smem:$0x3FA9] =	sst s1  }
0xa: {  	[smem:$0x3FAA] =	sst s2  }
0xb: {  	[smem:$0x3FAB] =	sst s3  }
0xc: {  	[smem:$0x3FAC] =	sst s4  }
0xd: {  	[smem:$0x3FAD] =	sst s5  }
0xe: {  	[smem:$0x3FAE] =	sst s6  }
0xf: {  	[smem:$0x3FAF] =	sst s7  }
0x10: {  	[smem:$0x3FB0] =	sst s8  }
0x11: {  	[smem:$0x3FB1] =	sst s9;
	s0 =	simm.s32 @!p0 $0x0  }
0x12: {  	s1 =	sld [smem:$0x3F97];
	s0 =	simm.s32 @p0 $0x1  }
0x13: {  	[smem:$0x3FB2] =	sst s0;
	s0 =	simm.s32 @!p1 $0x0  }
0x14: {  	s2 =	sld [smem:$0x3F96];
	s0 =	simm.s32 @p1 $0x1  }
0x15: {  	[smem:$0x3FB3] =	sst s0;
	s0 =	simm.s32 @!p2 $0x0  }
0x16: {  	s3 =	sld [smem:$0x3FDB];
	s0 =	simm.s32 @p2 $0x1  }
0x17: {  	s4 =	simm.s32 $0x1BF5;
	[smem:$0x3FB5] =	sst s0  }
0x18: {  	s0 =	sld [smem:$0x3F98];
	_ =	swait.ge [sflag:s4], $0x0  }
0x19: {  	s7 =	sld [smem:$0x3F99]  }
0x1a: {  	s8 =	sadd.s32 $0xFFFFE003, lr  }
0x1b: {  	s9 =	sadd.s32 $0xFFFFFEF7, lr;
	s5 =	simm.s32 $0xFFFFFFFF;
	p2 =	slt.u32 s8, $0xFFFFF086  }
0x1c: {  	p1 =	slt.u32 s9, $0xF7A;
	s5 =	simm.s32 @!p2 $0x0  }
0x1d: {  	s5 =	simm.s32 @p1 $0x1;
	p0 =	seq.s32 s7, s2  }
0x1e: {  	s7 =	smul.u32 @!p0 $0xF7A, s2;
	p2 =	seq.s32 @!p0 s5, $0x0  }
0x1f: {  	s9 =	smul.u32 $0xF7A, s1;
	s8 =	simm.s32 @!p0 $0x1BF5;
	p2 =	por !p2, p0  }
0x20: {  	[sflag:s8] =	ssyncset.s32 @!p0 $0xFFFFF086;
	s6 =	sadd.s32 @!p0 s3, s7;
	s7 =	simm.s32 @!p0 $0x108  }
0x21: {  	s3 =	sadd.s32 s3, s9;
	s6 =	sadd.s32 @!p0 $0x88, s6;
	s7 =	simm.s32 @p2 $0x1082  }
0x22: {  	[simem:s7], [sflag:s8] =	dma.local @!p0 [hbm:s6], $0xF7A  }
0x23: {  	s9 =	sor.u32 $0xD0000000, s2;
	s6 =	simm.s32 $0x108;
	_ =	swait.ge @!p0 [sflag:s8], $0x0  }
0x24: {  	s3 =	sadd.s32 $0x88, s3;
	s6 =	simm.s32 @!p1 $0x1082;
	[sflag:s4] =	ssyncset.s32 $0xFFFFF086  }
0x25: {  	[simem:s6], [sflag:s4] =	dma.local [hbm:s3], $0xF7A  }
0x26: {  	[smem:$0x3F99] =	sst s1;
	(tag) =	ssettag s2;
	_ =	strace s9  }
0x27: {  	s1 =	sld [smem:$0x3FA9]  }
0x28: {  	s2 =	sld [smem:$0x3FAA]  }
0x29: {  	s4 =	sld [smem:$0x3FAC]  }
0x2a: {  	p0 =	seq.s32 s5, $0x0;
	s5 =	sld [smem:$0x3FAD]  }
0x2b: {  	s6 =	sld [smem:$0x3FAE]  }
0x2c: {  	s7 =	sld [smem:$0x3FAF]  }
0x2d: {  	s3 =	simm.s32 $0x108;
	s8 =	sld [smem:$0x3FB0]  }
0x2e: {  	s3 =	simm.s32 @!p0 $0x1082;
	s9 =	sld [smem:$0x3FB1]  }
0x2f: {  	lr =	sadd.s32 s0, s3;
	s0 =	sld [smem:$0x3FA8]  }
0x30: {  	s3 =	sld [smem:$0x3FAB]  }
0x31: {  	[smem:$0x3FB4] =	sst s10  }
0x32: {  	s10 =	sld [smem:$0x3FB2];
	_ =	sdelay $0x3  }
0x33: {  	p0 =	seq.s32 s10, $0x1;
	s10 =	sld [smem:$0x3FB4];
	_ =	sdelay $0x3  }
0x34: {  	[smem:$0x3FB4] =	sst s10  }
0x35: {  	s10 =	sld [smem:$0x3FB3];
	_ =	sdelay $0x3  }
0x36: {  	p1 =	seq.s32 s10, $0x1;
	s10 =	sld [smem:$0x3FB4];
	_ =	sdelay $0x3  }
0x37: {  	[smem:$0x3FB4] =	sst s10  }
0x38: {  	s10 =	sld [smem:$0x3FB5]  }
0x39: {  	_ = 	snop;
	(pc) =	sbr.ind lr, $3  }
0x3a: {  	_ = 	snop  }
0x3b: {  	_ = 	snop  }
0x3c: {  	p2 =	seq.s32 s10, $0x1;
	s10 =	sld [smem:$0x3FB4]  }
0x3d: {  	_ =	shalt  }
0x3e: {  	_ =	shalt  }
0x3f: {  	_ =	shalt  }
0x40: {  	_ =	shalt  }
0x41: {  	_ =	shalt  }
0x42: {  	_ =	shalt  }
0x43: {  	_ =	shalt  }
0x44: {  	_ =	shalt  }
0x45: {  	_ =	shalt  }
0x46: {  	_ =	shalt  }
0x47: {  	_ =	shalt  }
0x48: {  	_ =	shalt  }
0x49: {  	_ =	shalt  }
0x4a: {  	_ =	shalt  }
0x4b: {  	_ =	shalt  }
0x4c: {  	_ =	shalt  }
0x4d: {  	_ =	shalt  }
0x4e: {  	_ =	shalt  }
0x4f: {  	_ =	shalt  }
0x50: {  	_ =	shalt  }
0x51: {  	_ =	shalt  }
0x52: {  	_ =	shalt  }
0x53: {  	_ =	shalt  }
0x54: {  	_ =	shalt  }
0x55: {  	_ =	shalt  }
0x56: {  	_ =	shalt  }
0x57: {  	_ =	shalt  }
0x58: {  	_ =	shalt  }
0x59: {  	_ =	shalt  }
0x5a: {  	_ =	shalt  }
0x5b: {  	_ =	shalt  }
0x5c: {  	_ =	shalt  }
0x5d: {  	_ =	shalt  }
0x5e: {  	_ =	shalt  }
0x5f: {  	_ =	shalt  }
0x60: {  	_ =	shalt  }
0x61: {  	_ =	shalt  }
0x62: {  	_ =	shalt  }
0x63: {  	_ =	shalt  }
0x64: {  	_ =	shalt  }
0x65: {  	_ =	shalt  }
0x66: {  	_ =	shalt  }
0x67: {  	_ =	shalt  }
0x68: {  	_ =	shalt  }
0x69: {  	_ =	shalt  }
0x6a: {  	_ =	shalt  }
0x6b: {  	_ =	shalt  }
0x6c: {  	_ =	shalt  }
0x6d: {  	_ =	shalt  }
0x6e: {  	_ =	shalt  }
0x6f: {  	_ =	shalt  }
0x70: {  	_ =	shalt  }
0x71: {  	_ =	shalt  }
0x72: {  	_ =	shalt  }
0x73: {  	_ =	shalt  }
0x74: {  	_ =	shalt  }
0x75: {  	_ =	shalt  }
0x76: {  	_ =	shalt  }
0x77: {  	_ =	shalt  }
0x78: {  	_ =	shalt  }
0x79: {  	_ =	shalt  }
0x7a: {  	_ =	shalt  }
0x7b: {  	_ =	shalt  }
0x7c: {  	_ =	shalt  }
0x7d: {  	_ =	shalt  }
0x7e: {  	_ =	shalt  }
0x7f: {  	_ =	shalt  }
0x80: {  	_ =	shalt  }
0x81: {  	_ =	shalt  }
0x82: {  	_ =	shalt  }
0x83: {  	_ =	shalt  }
0x84: {  	_ =	shalt  }
0x85: {  	_ =	shalt  }
0x86: {  	_ =	shalt  }
0x87: {  	_ =	shalt  }
.Lfunc_end0:
.L_simem_size_0:
called_computation.1_lowered:
.L_overlay_start_0:
0x88: {  	s2 =	sld [smem:$0x3FD9]  }
0x89: {  	s3 =	sld [smem:$0x3FFE];
	_ =	sdelay $0x1  }
0x8a: {  	s1 =	srdreg.scid  }
0x8b: {  	s0 =	sand.u32 $0x1, s1  }
0x8c: {  	s17 =	sshll.u32 s0, $0xA;
	s2 =	sadd.s32 s3, s2  }
0x8d: {  	s2 =	sadd.s32 s2, s17  }
0x8e: {  	[smem:$0x3FC0] =	sst s2  }
0x8f: {  	_ = 	snop  }
0x90: {  	s2 =	sld [smem:$0x3FD0];
	(tm) =	ssettm $0x1  }
0x91: {  	s18 =	sld [smem:$0x3FFB];
	_ =	sdelay $0x3  }
0x92: {  	_ =	strace s18  }
0x93: {  	s3 =	sld [smem:$0x3FFC];
	_ =	sdelay $0x3  }
0x94: {  	_ =	strace s3  }
0x95: {  	s3 =	sld [smem:$0x3FFD];
	_ =	sdelay $0x3  }
0x96: {  	_ =	strace s3  }
0x97: {  	_ =	strace $0x8FFFFFFF  }
0x98: {  	s19 =	sld [smem:$0x3FDB];
	_ =	sdelay $0x1  }
0x99: {  	s4 =	simm.s32 $_scs_section_size  }
0x9a: {  	s5 =	simm.s32 $_size__tile_overlayer_lowered;
	s6 =	simm.s32 $_tile_overlayer_lowered  }
0x9b: {  	s22 =	simm.s32 $0x1BFF;
	s21 =	sshll.u32 s6, $0x1;
	s3 =	sadd.s32 s4, s19  }
0x9c: {  	s7 =	simm.s32 $0x0;
	s20 =	sshll.u32 s5, $0x1;
	s5 =	sadd.s32 s21, s3  }
0x9d: {  	[timem:s7], [sflag:s22] =	dma.local [hbm:s5], s20  }
0x9e: {  	_ =	swait.ge [sflag:s22], s20  }
0x9f: {  	s4 =	ssub.s32 $0x0, s20;
	[sflag:s22] =	ssyncset.done $0x0  }
0xa0: {  	[sflag:s22] =	ssyncadd.s32 s4;
	_ =	sdelay $0x1  }
0xa1: {  	s23 =	simm.s32 $0x1B8B  }
0xa2: {  	_ =	swait.ge [sflag:s23], $0x1  }
0xa3: {  	[sflag:s23] =	ssyncset.done $0x0  }
0xa4: {  	s25 =	simm.s32 $0x1B8E;
	s24 =	sld [smem:$0x3FFE];
	[sflag:s23] =	ssyncadd.s32 $0xFFFFFFFF  }
0xa5: {  	s26 =	simm.s32 $execute0_lowered;
	[smem:$0x3FD2] =	sst s25  }
0xa6: {  	s5 =	sshll.u32 s26, $0x1;
	_ =	strace $0x80000049;
	[dreg:$0x1] =	wrdreg $0xFFFFFFFF  }
0xa7: {  	s28 =	simm.s32 $_size_execute0_lowered;
	s3 =	sadd.s32 s3, s5;
	[dreg:$0x0] =	wrdreg $0x0  }
0xa8: {  	s5 =	sshll.u32 s28, $0x1;
	[dreg:$0x2] =	wrdreg s3  }
0xa9: {  	[dreg:$0x3] =	wrdreg s5  }
0xaa: {  	[dreg:$0x4] =	wrdreg $0xC0  }
0xab: {  	_ =	task [dreg:s7], $0x5FFFF  }
0xac: {  	[dreg:$0x1] =	wrdreg $0xFFFFFFFF  }
0xad: {  	[dreg:$0x0] =	wrdreg $0x60  }
0xae: {  	[dreg:$0x2] =	wrdreg s2  }
0xaf: {  	[dreg:$0x3] =	wrdreg s24  }
0xb0: {  	[dreg:$0x4] =	wrdreg $0x90000  }
0xb1: {  	[dreg:$0x5] =	wrdreg $0x9  }
0xb2: {  	_ =	task.clear_ibuf [dreg:s7], $0x6FFFF;
	_ =	strace $0x90000049  }
0xb3: {  	s29 =	simm.s32 $0x9;
	_ =	strace $0x8000004B  }
0xb4: {  	_ =	swait.ge [sflag:s29], $0x1  }
0xb5: {  	[sflag:s29] =	ssyncadd.s32 $0xFFFFFFFF  }
0xb6: {  	_ =	strace $0x9000004B  }
0xb7: {  	_ =	sfence  }
0xb8: {  	s30 =	sld [smem:$0x0];
	_ =	sdelay $0x2  }
0xb9: {  	s31 =	sshll.u32 s1, $0xD;
	s1 =	sshrl.u32 s1, $0x2  }
0xba: {  	s3 =	sand.u32 $0x4000, s31;
	s1 =	sadd.s32 s1, s30  }
0xbb: {  	s0 =	sor.u32 s3, s0;
	s1 =	sshll.u32 s1, $0x11  }
0xbc: {  	s0 =	sor.u32 s1, s0  }
0xbd: {  	s0 =	sadd.s32 $0x8F2B, s0  }
0xbe: {  	[sflag:s0] =	ssyncadd.remote.s32 $0x1  }
0xbf: {  	_ =	sfence.sel $0xFFFF  }
0xc0: {  	[dreg:$0x0] =	wrdreg $0xFFFFFFFF;
	(pc) =	sbr.abs _section_cstart, $3  }
0xc1: {  	[dreg:$0x1] =	wrdreg $0xFFFFFFFF  }
0xc2: {  	_ =	task.clear_ibuf [dreg:s7], $0x2FFFF;
	_ =	strace $0x9FFFFFFF  }
0xc3: {  	(tm) =	ssettm $0x7FFFFFFF  }
tec
execute0_lowered:
.L_overlay_start_1:
0x0: {  	(tag) =	ssettag $0x1  }
0x1: {  	s1 =	rddreg [dreg:$0x0]  }
0x2: {  	s6 =	rddreg [dreg:$0x1]  }
0x3: {  	s2 =	rddreg [dreg:$0x2];
	s4 =	srdreg.scid  }
0x4: {  	s0 =	rddreg [dreg:$0x3];
	s3 =	simm.s32 $0x0;
	s7 =	sand.u32 $0x1, s4  }
0x5: {  	[smem:$0x7FF] =	sst s3;
	s5 =	smul.u32 $0x5000, s7  }
0x6: {  	s4 =	stileid.u32;
	s8 =	smul.u32 $0x28000, s7  }
0x7: {  	s14 =	simm.s32 $0x5000;
	_ =	strace $0x8000004A;
	s10 =	smul.u32 $0x50000, s4  }
0x8: {  	s30 =	ssub.s32 $0x2, s7;
	s11 =	sshll.u32 s4, $0x6;
	s12 =	smul.u32 $0x500, s4  }
0x9: {  	s16 =	smul.u32 $0x2800, s4;
	s7 =	sshrl.u32 s30, $0x1;
	s9 =	sadd.s32 s5, s6  }
0xa: {  	s5 =	sadd.s32 $0x67000, s6;
	s8 =	sadd.s32 s8, s6;
	s10 =	sshrl.u32 s10, $0x2  }
0xb: {  	s7 =	ssub.s32 s30, s7;
	s6 =	sor.u32 $0x1C01, s11;
	s10 =	sadd.s32 s10, s2  }
0xc: {  	s31 =	sadd.s32 $0xD000, s9;
	s13 =	sadd.s32 $0x2A00, s9;
	s15 =	sadd.s32 $0x69800, s8  }
0xd: {  	s7 =	smax.u32 s7, $0x1;
	s9 =	simm.s32 $0x1;
	s8 =	sshrl.u32 s10, $0x3  }
0xe: {  	s10 =	sadd.s32 s12, s31;
	s11 =	sadd.s32 s12, s13;
	s12 =	simm.s32 $0x2800  }
0xf: {  	s13 =	simm.s32 $0x80;
	s15 =	sadd.s32 s16, s15;
	s16 =	simm.s32 $0x0  }
.LBB2_1:
0x10: {  	[spmem:s8], [sflag:s6] =	dma.local [hbm:s5], $0x2800  }
0x11: {  	_ =	swait.ge [sflag:s9], $0x2800  }
0x12: {  	[sflag:s9] =	ssyncset.done $0x0  }
0x13: {  	[sflag:s9] =	ssyncadd.s32 $0xFFFFD800  }
0x14: {  	[tilespmem:s3], [sflag:$0x1] =	stream.linear.gather [hbm4b:s10+s3], $0x2780, $0x38;
	[tilespmem:$0x1D000] =	vst v63  }
0x15: {  	_ =	swait.ge [sflag:s9], $0x2780  }
0x16: {  	[sflag:s9] =	ssyncset.done $0x0  }
0x17: {  	[sflag:s9] =	ssyncadd.s32 $0xFFFFD880  }
0x18: {  	[tilespmem:s12], [sflag:$0x1] =	stream.linear.gather [hbm4b:s11+s3], $0x2780, $0x38;
	[tilespmem:$0x1D000] =	vst v63  }
0x19: {  	_ =	swait.ge [sflag:s9], $0x2780  }
0x1a: {  	[sflag:s9] =	ssyncset.done $0x0  }
0x1b: {  	[sflag:s9] =	ssyncadd.s32 $0xFFFFD880  }
0x1c: {  	s17 =	simm.s32 $0x0;
	[bflag:$0x0] =	sbarrier.arrive $0xFFFF  }
0x1d: {  	[tilespmem:s14], [sflag:$0x1] =	stream.indirect.gather [hbm4b:s1+s13], $0x80, s17, s13, $0xb8;
	[tilespmem:$0x1D000] =	vst v63  }
0x1e: {  	_ =	swait.ge [sflag:s9], $0x4000  }
0x1f: {  	[sflag:s9] =	ssyncset.done $0x0  }
0x20: {  	s31 =	simm.s32 $0x2800;
	[sflag:s9] =	ssyncadd.s32 $0xFFFFC000  }
0x21: {  	[spmem:s2] =	stream.indirect.scatter.add.f32 [tilespmem:s14], [sflag:$0x1], $0x80, s31, s13, $0xb8;
	[tilespmem:$0x1D000] =	vst v63  }
0x22: {  	_ =	swait.ge [sflag:s9], $0x4000  }
0x23: {  	s18 =	simm.s32 $0x400;
	s17 =	simm.s32 $0x200;
	[sflag:s9] =	ssyncset.done $0x0  }
.LBB2_2:
0x24: {  	s19 =	sshra.s32 s17, $0x2  }
0x25: {  	[sflag:s9] =	ssyncadd.s32 $0xFFFFC000;
	s17 =	smov.u32 s18;
	s20 =	sadd.s32 $0x200, s18  }
0x26: {  	[tilespmem:s14], [sflag:$0x1] =	stream.indirect.gather [hbm4b:s1+s13], $0x80, s19, s13, $0xb8;
	[tilespmem:$0x1D000] =	vst v63  }
0x27: {  	p0 =	sne.s32 s18, $0x9C00;
	_ =	swait.ge [sflag:s9], $0x4000  }
.Ltmp0:
0x28: {  	[sflag:s9] =	ssyncset.done $0x0;
	(pc) =	sbr.rel @p0 .LBB2_2-.Ltmp0, $4  }
0x29: {  	s18 =	sadd.s32 $0x2800, s19;
	[sflag:s9] =	ssyncadd.s32 $0xFFFFC000  }
0x2a: {  	[spmem:s2] =	stream.indirect.scatter.add.f32 [tilespmem:s14], [sflag:$0x1], $0x80, s18, s13, $0xb8;
	[tilespmem:$0x1D000] =	vst v63  }
0x2b: {  	_ =	swait.ge [sflag:s9], $0x4000  }
0x2c: {  	s18 =	smov.u32 s20;
	[sflag:s9] =	ssyncset.done $0x0  }
0x2d: {  	s17 =	sshra.s32 s17, $0x2;
	[sflag:s9] =	ssyncadd.s32 $0xFFFFC000  }
0x2e: {  	[tilespmem:s14], [sflag:$0x1] =	stream.indirect.gather [hbm4b:s1+s13], $0x80, s17, s13, $0xb8;
	[tilespmem:$0x1D000] =	vst v63  }
0x2f: {  	_ =	swait.ge [sflag:s9], $0x4000  }
0x30: {  	[sflag:s9] =	ssyncset.done $0x0  }
0x31: {  	s17 =	sadd.s32 $0x2800, s17;
	[sflag:s9] =	ssyncadd.s32 $0xFFFFC000  }
0x32: {  	[spmem:s2] =	stream.indirect.scatter.add.f32 [tilespmem:s14], [sflag:$0x1], $0x80, s17, s13, $0xb8;
	[tilespmem:$0x1D000] =	vst v63  }
0x33: {  	_ =	swait.ge [sflag:s9], $0x4000  }
0x34: {  	s16 =	sadd.s32 $0x1, s16;
	[sflag:s9] =	ssyncset.done $0x0  }
0x35: {  	p0 =	sne.s32 s16, s7;
	[sflag:s9] =	ssyncadd.s32 $0xFFFFC000  }
.Ltmp1:
0x36: {  	[bflag:$0x0] =	sbarrier.arrive $0xFFFF;
	(pc) =	sbr.rel @p0 .LBB2_1-.Ltmp1, $4  }
0x37: {  	[hbm:s15], [sflag:s6] =	dma.local [spmem:s8], $0x2800  }
0x38: {  	_ =	swait.ge [sflag:s9], $0x2800  }
0x39: {  	[sflag:s9] =	ssyncset.done $0x0  }
0x3a: {  	[sflag:s9] =	ssyncadd.s32 $0xFFFFD800  }
0x3b: {  	_ =	sfence.sel $0x180000  }
0x3c: {  	[bflag:$0x0] =	sbarrier.arrive $0xFFFF  }
0x3d: {  	p0 =	sne.s32 s4, $0x0;
	_ =	strace $0x9000004A  }
0x3e: {  	s0 =	sadd.s32 @!p0 $0x100000, s0;
	[bflag:$0x2] =	sbarrier.arrive $0xFFFF  }
0x3f: {  	[sflag:s0] =	ssyncadd.tile.s32 @!p0 $0x1;
	_ =	shalt  }
.Lfunc_end2:
_tile_overlayer_lowered:
.L_overlay_start_2:
0x40: {  	(tag) =	ssettag $0x2  }
0x41: {  	s0 =	rddreg [dreg:$0x0];
	s2 =	stileid.u32  }
0x42: {  	s1 =	rddreg [dreg:$0x1];
	p0 =	sne.s32 s2, $0x0  }
0x43: {  	s3 =	rddreg [dreg:$0x2];
	[bflag:$0x3] =	sbarrier.arrive $0xFFFF;
	s2 =	simm.s32 @!p0 $0x1C01  }
0x44: {  	[timem:s3], [sflag:s2] =	dma.local @!p0 [hbm:s0], s1  }
0x45: {  	s0 =	simm.s32 @!p0 $0x1  }
0x46: {  	_ =	swait.ge @!p0 [sflag:s0], s1  }
0x47: {  	s1 =	ssub.s32 @!p0 $0x0, s1;
	[sflag:s0] =	ssyncset.done @!p0 $0x0  }
0x48: {  	[sflag:s0] =	ssyncadd.s32 @!p0 s1  }
0x49: {  	[bflag:$0x3] =	sbarrier.arrive $0xFFFF  }
0x4a: {  	_ =	shalt  }

// kernel: kernel.17.cloned.1.call-start
scs
__scs_entry_jumppad:
0x0: {  	(pc) =	sbr.rel $0x88, $3  }
0x1: {  	(tag) =	ssettag $0x0;
	lr =	simm.s32 $0x1  }
0x2: {  	[smem:$0x3F99] =	sst lr;
	_ =	strace $0xD0000000  }
0x3: {  	_ = 	snop  }
0x4: {  	_ = 	snop  }
0x5: {  	_ = 	snop  }
0x6: {  	_ = 	snop  }
0x7: {  	_ = 	snop  }
__scs_overlays_trampoline_lowered:
0x8: {  	[smem:$0x3FA8] =	sst s0  }
0x9: {  	[smem:$0x3FA9] =	sst s1  }
0xa: {  	[smem:$0x3FAA] =	sst s2  }
0xb: {  	[smem:$0x3FAB] =	sst s3  }
0xc: {  	[smem:$0x3FAC] =	sst s4  }
0xd: {  	[smem:$0x3FAD] =	sst s5  }
0xe: {  	[smem:$0x3FAE] =	sst s6  }
0xf: {  	[smem:$0x3FAF] =	sst s7  }
0x10: {  	[smem:$0x3FB0] =	sst s8  }
0x11: {  	[smem:$0x3FB1] =	sst s9;
	s0 =	simm.s32 @!p0 $0x0  }
0x12: {  	s1 =	sld [smem:$0x3F97];
	s0 =	simm.s32 @p0 $0x1  }
0x13: {  	[smem:$0x3FB2] =	sst s0;
	s0 =	simm.s32 @!p1 $0x0  }
0x14: {  	s2 =	sld [smem:$0x3F96];
	s0 =	simm.s32 @p1 $0x1  }
0x15: {  	[smem:$0x3FB3] =	sst s0;
	s0 =	simm.s32 @!p2 $0x0  }
0x16: {  	s3 =	sld [smem:$0x3FDB];
	s0 =	simm.s32 @p2 $0x1  }
0x17: {  	s4 =	simm.s32 $0x1BF5;
	[smem:$0x3FB5] =	sst s0  }
0x18: {  	s0 =	sld [smem:$0x3F98];
	_ =	swait.ge [sflag:s4], $0x0  }
0x19: {  	s7 =	sld [smem:$0x3F99]  }
0x1a: {  	s8 =	sadd.s32 $0xFFFFE003, lr  }
0x1b: {  	s9 =	sadd.s32 $0xFFFFFEF7, lr;
	s5 =	simm.s32 $0xFFFFFFFF;
	p2 =	slt.u32 s8, $0xFFFFF086  }
0x1c: {  	p1 =	slt.u32 s9, $0xF7A;
	s5 =	simm.s32 @!p2 $0x0  }
0x1d: {  	s5 =	simm.s32 @p1 $0x1;
	p0 =	seq.s32 s7, s2  }
0x1e: {  	s7 =	smul.u32 @!p0 $0xF7A, s2;
	p2 =	seq.s32 @!p0 s5, $0x0  }
0x1f: {  	s9 =	smul.u32 $0xF7A, s1;
	s8 =	simm.s32 @!p0 $0x1BF5;
	p2 =	por !p2, p0  }
0x20: {  	[sflag:s8] =	ssyncset.s32 @!p0 $0xFFFFF086;
	s6 =	sadd.s32 @!p0 s3, s7;
	s7 =	simm.s32 @!p0 $0x108  }
0x21: {  	s3 =	sadd.s32 s3, s9;
	s6 =	sadd.s32 @!p0 $0x88, s6;
	s7 =	simm.s32 @p2 $0x1082  }
0x22: {  	[simem:s7], [sflag:s8] =	dma.local @!p0 [hbm:s6], $0xF7A  }
0x23: {  	s9 =	sor.u32 $0xD0000000, s2;
	s6 =	simm.s32 $0x108;
	_ =	swait.ge @!p0 [sflag:s8], $0x0  }
0x24: {  	s3 =	sadd.s32 $0x88, s3;
	s6 =	simm.s32 @!p1 $0x1082;
	[sflag:s4] =	ssyncset.s32 $0xFFFFF086  }
0x25: {  	[simem:s6], [sflag:s4] =	dma.local [hbm:s3], $0xF7A  }
0x26: {  	[smem:$0x3F99] =	sst s1;
	(tag) =	ssettag s2;
	_ =	strace s9  }
0x27: {  	s1 =	sld [smem:$0x3FA9]  }
0x28: {  	s2 =	sld [smem:$0x3FAA]  }
0x29: {  	s4 =	sld [smem:$0x3FAC]  }
0x2a: {  	p0 =	seq.s32 s5, $0x0;
	s5 =	sld [smem:$0x3FAD]  }
0x2b: {  	s6 =	sld [smem:$0x3FAE]  }
0x2c: {  	s7 =	sld [smem:$0x3FAF]  }
0x2d: {  	s3 =	simm.s32 $0x108;
	s8 =	sld [smem:$0x3FB0]  }
0x2e: {  	s3 =	simm.s32 @!p0 $0x1082;
	s9 =	sld [smem:$0x3FB1]  }
0x2f: {  	lr =	sadd.s32 s0, s3;
	s0 =	sld [smem:$0x3FA8]  }
0x30: {  	s3 =	sld [smem:$0x3FAB]  }
0x31: {  	[smem:$0x3FB4] =	sst s10  }
0x32: {  	s10 =	sld [smem:$0x3FB2];
	_ =	sdelay $0x3  }
0x33: {  	p0 =	seq.s32 s10, $0x1;
	s10 =	sld [smem:$0x3FB4];
	_ =	sdelay $0x3  }
0x34: {  	[smem:$0x3FB4] =	sst s10  }
0x35: {  	s10 =	sld [smem:$0x3FB3];
	_ =	sdelay $0x3  }
0x36: {  	p1 =	seq.s32 s10, $0x1;
	s10 =	sld [smem:$0x3FB4];
	_ =	sdelay $0x3  }
0x37: {  	[smem:$0x3FB4] =	sst s10  }
0x38: {  	s10 =	sld [smem:$0x3FB5]  }
0x39: {  	_ = 	snop;
	(pc) =	sbr.ind lr, $3  }
0x3a: {  	_ = 	snop  }
0x3b: {  	_ = 	snop  }
0x3c: {  	p2 =	seq.s32 s10, $0x1;
	s10 =	sld [smem:$0x3FB4]  }
0x3d: {  	_ =	shalt  }
0x3e: {  	_ =	shalt  }
0x3f: {  	_ =	shalt  }
0x40: {  	_ =	shalt  }
0x41: {  	_ =	shalt  }
0x42: {  	_ =	shalt  }
0x43: {  	_ =	shalt  }
0x44: {  	_ =	shalt  }
0x45: {  	_ =	shalt  }
0x46: {  	_ =	shalt  }
0x47: {  	_ =	shalt  }
0x48: {  	_ =	shalt  }
0x49: {  	_ =	shalt  }
0x4a: {  	_ =	shalt  }
0x4b: {  	_ =	shalt  }
0x4c: {  	_ =	shalt  }
0x4d: {  	_ =	shalt  }
0x4e: {  	_ =	shalt  }
0x4f: {  	_ =	shalt  }
0x50: {  	_ =	shalt  }
0x51: {  	_ =	shalt  }
0x52: {  	_ =	shalt  }
0x53: {  	_ =	shalt  }
0x54: {  	_ =	shalt  }
0x55: {  	_ =	shalt  }
0x56: {  	_ =	shalt  }
0x57: {  	_ =	shalt  }
0x58: {  	_ =	shalt  }
0x59: {  	_ =	shalt  }
0x5a: {  	_ =	shalt  }
0x5b: {  	_ =	shalt  }
0x5c: {  	_ =	shalt  }
0x5d: {  	_ =	shalt  }
0x5e: {  	_ =	shalt  }
0x5f: {  	_ =	shalt  }
0x60: {  	_ =	shalt  }
0x61: {  	_ =	shalt  }
0x62: {  	_ =	shalt  }
0x63: {  	_ =	shalt  }
0x64: {  	_ =	shalt  }
0x65: {  	_ =	shalt  }
0x66: {  	_ =	shalt  }
0x67: {  	_ =	shalt  }
0x68: {  	_ =	shalt  }
0x69: {  	_ =	shalt  }
0x6a: {  	_ =	shalt  }
0x6b: {  	_ =	shalt  }
0x6c: {  	_ =	shalt  }
0x6d: {  	_ =	shalt  }
0x6e: {  	_ =	shalt  }
0x6f: {  	_ =	shalt  }
0x70: {  	_ =	shalt  }
0x71: {  	_ =	shalt  }
0x72: {  	_ =	shalt  }
0x73: {  	_ =	shalt  }
0x74: {  	_ =	shalt  }
0x75: {  	_ =	shalt  }
0x76: {  	_ =	shalt  }
0x77: {  	_ =	shalt  }
0x78: {  	_ =	shalt  }
0x79: {  	_ =	shalt  }
0x7a: {  	_ =	shalt  }
0x7b: {  	_ =	shalt  }
0x7c: {  	_ =	shalt  }
0x7d: {  	_ =	shalt  }
0x7e: {  	_ =	shalt  }
0x7f: {  	_ =	shalt  }
0x80: {  	_ =	shalt  }
0x81: {  	_ =	shalt  }
0x82: {  	_ =	shalt  }
0x83: {  	_ =	shalt  }
0x84: {  	_ =	shalt  }
0x85: {  	_ =	shalt  }
0x86: {  	_ =	shalt  }
0x87: {  	_ =	shalt  }
.Lfunc_end0:
.L_simem_size_0:
called_computation.2_lowered:
.L_overlay_start_0:
0x88: {  	s2 =	sld [smem:$0x3FD9]  }
0x89: {  	s3 =	sld [smem:$0x3FFE];
	_ =	sdelay $0x1  }
0x8a: {  	s1 =	srdreg.scid  }
0x8b: {  	s0 =	sand.u32 $0x1, s1  }
0x8c: {  	s17 =	sshll.u32 s0, $0xA;
	s2 =	sadd.s32 s3, s2  }
0x8d: {  	s2 =	sadd.s32 s2, s17  }
0x8e: {  	[smem:$0x3FC0] =	sst s2  }
0x8f: {  	_ = 	snop  }
0x90: {  	s2 =	sld [smem:$0x3FD0];
	(tm) =	ssettm $0x1  }
0x91: {  	s18 =	sld [smem:$0x3FFB];
	_ =	sdelay $0x3  }
0x92: {  	_ =	strace s18  }
0x93: {  	s3 =	sld [smem:$0x3FFC];
	_ =	sdelay $0x3  }
0x94: {  	_ =	strace s3  }
0x95: {  	s3 =	sld [smem:$0x3FFD];
	_ =	sdelay $0x3  }
0x96: {  	_ =	strace s3  }
0x97: {  	_ =	strace $0x8FFFFFFF  }
0x98: {  	s19 =	sld [smem:$0x3FDB];
	_ =	sdelay $0x1  }
0x99: {  	s4 =	simm.s32 $_scs_section_size  }
0x9a: {  	s5 =	simm.s32 $_size__tile_overlayer_lowered;
	s6 =	simm.s32 $_tile_overlayer_lowered  }
0x9b: {  	s22 =	simm.s32 $0x1BFF;
	s21 =	sshll.u32 s6, $0x1;
	s3 =	sadd.s32 s4, s19  }
0x9c: {  	s7 =	simm.s32 $0x0;
	s20 =	sshll.u32 s5, $0x1;
	s5 =	sadd.s32 s21, s3  }
0x9d: {  	[timem:s7], [sflag:s22] =	dma.local [hbm:s5], s20  }
0x9e: {  	_ =	swait.ge [sflag:s22], s20  }
0x9f: {  	s4 =	ssub.s32 $0x0, s20;
	[sflag:s22] =	ssyncset.done $0x0  }
0xa0: {  	[sflag:s22] =	ssyncadd.s32 s4;
	_ =	sdelay $0x1  }
0xa1: {  	s23 =	simm.s32 $0x1B8B  }
0xa2: {  	_ =	swait.ge [sflag:s23], $0x1  }
0xa3: {  	[sflag:s23] =	ssyncset.done $0x0  }
0xa4: {  	s25 =	simm.s32 $0x1B8E;
	s24 =	sld [smem:$0x3FFE];
	[sflag:s23] =	ssyncadd.s32 $0xFFFFFFFF  }
0xa5: {  	s26 =	simm.s32 $execute0_lowered;
	[smem:$0x3FD2] =	sst s25  }
0xa6: {  	s5 =	sshll.u32 s26, $0x1;
	_ =	strace $0x8000004C;
	[dreg:$0x1] =	wrdreg $0xFFFFFFFF  }
0xa7: {  	s28 =	simm.s32 $_size_execute0_lowered;
	s3 =	sadd.s32 s3, s5;
	[dreg:$0x0] =	wrdreg $0x0  }
0xa8: {  	s5 =	sshll.u32 s28, $0x1;
	[dreg:$0x2] =	wrdreg s3  }
0xa9: {  	[dreg:$0x3] =	wrdreg s5  }
0xaa: {  	[dreg:$0x4] =	wrdreg $0xC0  }
0xab: {  	_ =	task [dreg:s7], $0x5FFFF  }
0xac: {  	[dreg:$0x1] =	wrdreg $0xFFFFFFFF  }
0xad: {  	[dreg:$0x0] =	wrdreg $0x60  }
0xae: {  	[dreg:$0x2] =	wrdreg s2  }
0xaf: {  	[dreg:$0x3] =	wrdreg s24  }
0xb0: {  	[dreg:$0x4] =	wrdreg $0x90000  }
0xb1: {  	[dreg:$0x5] =	wrdreg $0x9  }
0xb2: {  	_ =	task.clear_ibuf [dreg:s7], $0x6FFFF;
	_ =	strace $0x9000004C  }
0xb3: {  	s29 =	simm.s32 $0x9;
	_ =	strace $0x8000004E  }
0xb4: {  	_ =	swait.ge [sflag:s29], $0x1  }
0xb5: {  	[sflag:s29] =	ssyncadd.s32 $0xFFFFFFFF  }
0xb6: {  	_ =	strace $0x9000004E  }
0xb7: {  	_ =	sfence  }
0xb8: {  	s30 =	sld [smem:$0x0];
	_ =	sdelay $0x2  }
0xb9: {  	s31 =	sshll.u32 s1, $0xD;
	s1 =	sshrl.u32 s1, $0x2  }
0xba: {  	s3 =	sand.u32 $0x4000, s31;
	s1 =	sadd.s32 s1, s30  }
0xbb: {  	s0 =	sor.u32 s3, s0;
	s1 =	sshll.u32 s1, $0x11  }
0xbc: {  	s0 =	sor.u32 s1, s0  }
0xbd: {  	s0 =	sadd.s32 $0x8F2B, s0  }
0xbe: {  	[sflag:s0] =	ssyncadd.remote.s32 $0x1  }
0xbf: {  	_ =	sfence.sel $0xFFFF  }
0xc0: {  	[dreg:$0x0] =	wrdreg $0xFFFFFFFF;
	(pc) =	sbr.abs _section_cstart, $3  }
0xc1: {  	[dreg:$0x1] =	wrdreg $0xFFFFFFFF  }
0xc2: {  	_ =	task.clear_ibuf [dreg:s7], $0x2FFFF;
	_ =	strace $0x9FFFFFFF  }
0xc3: {  	(tm) =	ssettm $0x7FFFFFFF  }
tec
execute0_lowered:
.L_overlay_start_1:
0x0: {  	(tag) =	ssettag $0x1  }
0x1: {  	s1 =	rddreg [dreg:$0x0]  }
0x2: {  	s6 =	rddreg [dreg:$0x1]  }
0x3: {  	s2 =	rddreg [dreg:$0x2];
	s4 =	srdreg.scid  }
0x4: {  	s0 =	rddreg [dreg:$0x3];
	s3 =	simm.s32 $0x0;
	s7 =	sand.u32 $0x1, s4  }
0x5: {  	[smem:$0x7FF] =	sst s3;
	s5 =	smul.u32 $0x5000, s7  }
0x6: {  	s4 =	stileid.u32;
	s8 =	smul.u32 $0x28000, s7  }
0x7: {  	s14 =	simm.s32 $0x5000;
	_ =	strace $0x8000004D;
	s10 =	smul.u32 $0x50000, s4  }
0x8: {  	s30 =	ssub.s32 $0x2, s7;
	s11 =	sshll.u32 s4, $0x6;
	s12 =	smul.u32 $0x500, s4  }
0x9: {  	s16 =	smul.u32 $0x2800, s4;
	s7 =	sshrl.u32 s30, $0x1;
	s9 =	sadd.s32 s5, s6  }
0xa: {  	s5 =	sadd.s32 $0x67000, s6;
	s8 =	sadd.s32 s8, s6;
	s10 =	sshrl.u32 s10, $0x2  }
0xb: {  	s7 =	ssub.s32 s30, s7;
	s6 =	sor.u32 $0x1C01, s11;
	s10 =	sadd.s32 s10, s2  }
0xc: {  	s31 =	sadd.s32 $0xD000, s9;
	s13 =	sadd.s32 $0x2A00, s9;
	s15 =	sadd.s32 $0x69800, s8  }
0xd: {  	s7 =	smax.u32 s7, $0x1;
	s9 =	simm.s32 $0x1;
	s8 =	sshrl.u32 s10, $0x3  }
0xe: {  	s10 =	sadd.s32 s12, s31;
	s11 =	sadd.s32 s12, s13;
	s12 =	simm.s32 $0x2800  }
0xf: {  	s13 =	simm.s32 $0x80;
	s15 =	sadd.s32 s16, s15;
	s16 =	simm.s32 $0x0  }
.LBB2_1:
0x10: {  	[spmem:s8], [sflag:s6] =	dma.local [hbm:s5], $0x2800  }
0x11: {  	_ =	swait.ge [sflag:s9], $0x2800  }
0x12: {  	[sflag:s9] =	ssyncset.done $0x0  }
0x13: {  	[sflag:s9] =	ssyncadd.s32 $0xFFFFD800  }
0x14: {  	[tilespmem:s3], [sflag:$0x1] =	stream.linear.gather [hbm4b:s10+s3], $0x2780, $0x38;
	[tilespmem:$0x1D000] =	vst v63  }
0x15: {  	_ =	swait.ge [sflag:s9], $0x2780  }
0x16: {  	[sflag:s9] =	ssyncset.done $0x0  }
0x17: {  	[sflag:s9] =	ssyncadd.s32 $0xFFFFD880  }
0x18: {  	[tilespmem:s12], [sflag:$0x1] =	stream.linear.gather [hbm4b:s11+s3], $0x2780, $0x38;
	[tilespmem:$0x1D000] =	vst v63  }
0x19: {  	_ =	swait.ge [sflag:s9], $0x2780  }
0x1a: {  	[sflag:s9] =	ssyncset.done $0x0  }
0x1b: {  	[sflag:s9] =	ssyncadd.s32 $0xFFFFD880  }
0x1c: {  	s17 =	simm.s32 $0x0;
	[bflag:$0x0] =	sbarrier.arrive $0xFFFF  }
0x1d: {  	[tilespmem:s14], [sflag:$0x1] =	stream.indirect.gather [hbm4b:s1+s13], $0x80, s17, s13, $0xb8;
	[tilespmem:$0x1D000] =	vst v63  }
0x1e: {  	_ =	swait.ge [sflag:s9], $0x4000  }
0x1f: {  	[sflag:s9] =	ssyncset.done $0x0  }
0x20: {  	s31 =	simm.s32 $0x2800;
	[sflag:s9] =	ssyncadd.s32 $0xFFFFC000  }
0x21: {  	[spmem:s2] =	stream.indirect.scatter.add.f32 [tilespmem:s14], [sflag:$0x1], $0x80, s31, s13, $0xb8;
	[tilespmem:$0x1D000] =	vst v63  }
0x22: {  	_ =	swait.ge [sflag:s9], $0x4000  }
0x23: {  	s18 =	simm.s32 $0x400;
	s17 =	simm.s32 $0x200;
	[sflag:s9] =	ssyncset.done $0x0  }
.LBB2_2:
0x24: {  	s19 =	sshra.s32 s17, $0x2  }
0x25: {  	[sflag:s9] =	ssyncadd.s32 $0xFFFFC000;
	s17 =	smov.u32 s18;
	s20 =	sadd.s32 $0x200, s18  }
0x26: {  	[tilespmem:s14], [sflag:$0x1] =	stream.indirect.gather [hbm4b:s1+s13], $0x80, s19, s13, $0xb8;
	[tilespmem:$0x1D000] =	vst v63  }
0x27: {  	p0 =	sne.s32 s18, $0x9C00;
	_ =	swait.ge [sflag:s9], $0x4000  }
.Ltmp0:
0x28: {  	[sflag:s9] =	ssyncset.done $0x0;
	(pc) =	sbr.rel @p0 .LBB2_2-.Ltmp0, $4  }
0x29: {  	s18 =	sadd.s32 $0x2800, s19;
	[sflag:s9] =	ssyncadd.s32 $0xFFFFC000  }
0x2a: {  	[spmem:s2] =	stream.indirect.scatter.add.f32 [tilespmem:s14], [sflag:$0x1], $0x80, s18, s13, $0xb8;
	[tilespmem:$0x1D000] =	vst v63  }
0x2b: {  	_ =	swait.ge [sflag:s9], $0x4000  }
0x2c: {  	s18 =	smov.u32 s20;
	[sflag:s9] =	ssyncset.done $0x0  }
0x2d: {  	s17 =	sshra.s32 s17, $0x2;
	[sflag:s9] =	ssyncadd.s32 $0xFFFFC000  }
0x2e: {  	[tilespmem:s14], [sflag:$0x1] =	stream.indirect.gather [hbm4b:s1+s13], $0x80, s17, s13, $0xb8;
	[tilespmem:$0x1D000] =	vst v63  }
0x2f: {  	_ =	swait.ge [sflag:s9], $0x4000  }
0x30: {  	[sflag:s9] =	ssyncset.done $0x0  }
0x31: {  	s17 =	sadd.s32 $0x2800, s17;
	[sflag:s9] =	ssyncadd.s32 $0xFFFFC000  }
0x32: {  	[spmem:s2] =	stream.indirect.scatter.add.f32 [tilespmem:s14], [sflag:$0x1], $0x80, s17, s13, $0xb8;
	[tilespmem:$0x1D000] =	vst v63  }
0x33: {  	_ =	swait.ge [sflag:s9], $0x4000  }
0x34: {  	s16 =	sadd.s32 $0x1, s16;
	[sflag:s9] =	ssyncset.done $0x0  }
0x35: {  	p0 =	sne.s32 s16, s7;
	[sflag:s9] =	ssyncadd.s32 $0xFFFFC000  }
.Ltmp1:
0x36: {  	[bflag:$0x0] =	sbarrier.arrive $0xFFFF;
	(pc) =	sbr.rel @p0 .LBB2_1-.Ltmp1, $4  }
0x37: {  	[hbm:s15], [sflag:s6] =	dma.local [spmem:s8], $0x2800  }
0x38: {  	_ =	swait.ge [sflag:s9], $0x2800  }
0x39: {  	[sflag:s9] =	ssyncset.done $0x0  }
0x3a: {  	[sflag:s9] =	ssyncadd.s32 $0xFFFFD800  }
0x3b: {  	_ =	sfence.sel $0x180000  }
0x3c: {  	[bflag:$0x0] =	sbarrier.arrive $0xFFFF  }
0x3d: {  	p0 =	sne.s32 s4, $0x0;
	_ =	strace $0x9000004D  }
0x3e: {  	s0 =	sadd.s32 @!p0 $0x100000, s0;
	[bflag:$0x2] =	sbarrier.arrive $0xFFFF  }
0x3f: {  	[sflag:s0] =	ssyncadd.tile.s32 @!p0 $0x1;
	_ =	shalt  }
.Lfunc_end2:
_tile_overlayer_lowered:
.L_overlay_start_2:
0x40: {  	(tag) =	ssettag $0x2  }
0x41: {  	s0 =	rddreg [dreg:$0x0];
	s2 =	stileid.u32  }
0x42: {  	s1 =	rddreg [dreg:$0x1];
	p0 =	sne.s32 s2, $0x0  }
0x43: {  	s3 =	rddreg [dreg:$0x2];
	[bflag:$0x3] =	sbarrier.arrive $0xFFFF;
	s2 =	simm.s32 @!p0 $0x1C01  }
0x44: {  	[timem:s3], [sflag:s2] =	dma.local @!p0 [hbm:s0], s1  }
0x45: {  	s0 =	simm.s32 @!p0 $0x1  }
0x46: {  	_ =	swait.ge @!p0 [sflag:s0], s1  }
0x47: {  	s1 =	ssub.s32 @!p0 $0x0, s1;
	[sflag:s0] =	ssyncset.done @!p0 $0x0  }
0x48: {  	[sflag:s0] =	ssyncadd.s32 @!p0 s1  }
0x49: {  	[bflag:$0x3] =	sbarrier.arrive $0xFFFF  }
0x4a: {  	_ =	shalt  }

// kernel: kernel.20.cloned.1.call-start
scs
__scs_entry_jumppad:
0x0: {  	(pc) =	sbr.rel $0x88, $3  }
0x1: {  	(tag) =	ssettag $0x0;
	lr =	simm.s32 $0x1  }
0x2: {  	[smem:$0x3F99] =	sst lr;
	_ =	strace $0xD0000000  }
0x3: {  	_ = 	snop  }
0x4: {  	_ = 	snop  }
0x5: {  	_ = 	snop  }
0x6: {  	_ = 	snop  }
0x7: {  	_ = 	snop  }
__scs_overlays_trampoline_lowered:
0x8: {  	[smem:$0x3FA8] =	sst s0  }
0x9: {  	[smem:$0x3FA9] =	sst s1  }
0xa: {  	[smem:$0x3FAA] =	sst s2  }
0xb: {  	[smem:$0x3FAB] =	sst s3  }
0xc: {  	[smem:$0x3FAC] =	sst s4  }
0xd: {  	[smem:$0x3FAD] =	sst s5  }
0xe: {  	[smem:$0x3FAE] =	sst s6  }
0xf: {  	[smem:$0x3FAF] =	sst s7  }
0x10: {  	[smem:$0x3FB0] =	sst s8  }
0x11: {  	[smem:$0x3FB1] =	sst s9;
	s0 =	simm.s32 @!p0 $0x0  }
0x12: {  	s1 =	sld [smem:$0x3F97];
	s0 =	simm.s32 @p0 $0x1  }
0x13: {  	[smem:$0x3FB2] =	sst s0;
	s0 =	simm.s32 @!p1 $0x0  }
0x14: {  	s2 =	sld [smem:$0x3F96];
	s0 =	simm.s32 @p1 $0x1  }
0x15: {  	[smem:$0x3FB3] =	sst s0;
	s0 =	simm.s32 @!p2 $0x0  }
0x16: {  	s3 =	sld [smem:$0x3FDB];
	s0 =	simm.s32 @p2 $0x1  }
0x17: {  	s4 =	simm.s32 $0x1BF5;
	[smem:$0x3FB5] =	sst s0  }
0x18: {  	s0 =	sld [smem:$0x3F98];
	_ =	swait.ge [sflag:s4], $0x0  }
0x19: {  	s7 =	sld [smem:$0x3F99]  }
0x1a: {  	s8 =	sadd.s32 $0xFFFFE003, lr  }
0x1b: {  	s9 =	sadd.s32 $0xFFFFFEF7, lr;
	s5 =	simm.s32 $0xFFFFFFFF;
	p2 =	slt.u32 s8, $0xFFFFF086  }
0x1c: {  	p1 =	slt.u32 s9, $0xF7A;
	s5 =	simm.s32 @!p2 $0x0  }
0x1d: {  	s5 =	simm.s32 @p1 $0x1;
	p0 =	seq.s32 s7, s2  }
0x1e: {  	s7 =	smul.u32 @!p0 $0xF7A, s2;
	p2 =	seq.s32 @!p0 s5, $0x0  }
0x1f: {  	s9 =	smul.u32 $0xF7A, s1;
	s8 =	simm.s32 @!p0 $0x1BF5;
	p2 =	por !p2, p0  }
0x20: {  	[sflag:s8] =	ssyncset.s32 @!p0 $0xFFFFF086;
	s6 =	sadd.s32 @!p0 s3, s7;
	s7 =	simm.s32 @!p0 $0x108  }
0x21: {  	s3 =	sadd.s32 s3, s9;
	s6 =	sadd.s32 @!p0 $0x88, s6;
	s7 =	simm.s32 @p2 $0x1082  }
0x22: {  	[simem:s7], [sflag:s8] =	dma.local @!p0 [hbm:s6], $0xF7A  }
0x23: {  	s9 =	sor.u32 $0xD0000000, s2;
	s6 =	simm.s32 $0x108;
	_ =	swait.ge @!p0 [sflag:s8], $0x0  }
0x24: {  	s3 =	sadd.s32 $0x88, s3;
	s6 =	simm.s32 @!p1 $0x1082;
	[sflag:s4] =	ssyncset.s32 $0xFFFFF086  }
0x25: {  	[simem:s6], [sflag:s4] =	dma.local [hbm:s3], $0xF7A  }
0x26: {  	[smem:$0x3F99] =	sst s1;
	(tag) =	ssettag s2;
	_ =	strace s9  }
0x27: {  	s1 =	sld [smem:$0x3FA9]  }
0x28: {  	s2 =	sld [smem:$0x3FAA]  }
0x29: {  	s4 =	sld [smem:$0x3FAC]  }
0x2a: {  	p0 =	seq.s32 s5, $0x0;
	s5 =	sld [smem:$0x3FAD]  }
0x2b: {  	s6 =	sld [smem:$0x3FAE]  }
0x2c: {  	s7 =	sld [smem:$0x3FAF]  }
0x2d: {  	s3 =	simm.s32 $0x108;
	s8 =	sld [smem:$0x3FB0]  }
0x2e: {  	s3 =	simm.s32 @!p0 $0x1082;
	s9 =	sld [smem:$0x3FB1]  }
0x2f: {  	lr =	sadd.s32 s0, s3;
	s0 =	sld [smem:$0x3FA8]  }
0x30: {  	s3 =	sld [smem:$0x3FAB]  }
0x31: {  	[smem:$0x3FB4] =	sst s10  }
0x32: {  	s10 =	sld [smem:$0x3FB2];
	_ =	sdelay $0x3  }
0x33: {  	p0 =	seq.s32 s10, $0x1;
	s10 =	sld [smem:$0x3FB4];
	_ =	sdelay $0x3  }
0x34: {  	[smem:$0x3FB4] =	sst s10  }
0x35: {  	s10 =	sld [smem:$0x3FB3];
	_ =	sdelay $0x3  }
0x36: {  	p1 =	seq.s32 s10, $0x1;
	s10 =	sld [smem:$0x3FB4];
	_ =	sdelay $0x3  }
0x37: {  	[smem:$0x3FB4] =	sst s10  }
0x38: {  	s10 =	sld [smem:$0x3FB5]  }
0x39: {  	_ = 	snop;
	(pc) =	sbr.ind lr, $3  }
0x3a: {  	_ = 	snop  }
0x3b: {  	_ = 	snop  }
0x3c: {  	p2 =	seq.s32 s10, $0x1;
	s10 =	sld [smem:$0x3FB4]  }
0x3d: {  	_ =	shalt  }
0x3e: {  	_ =	shalt  }
0x3f: {  	_ =	shalt  }
0x40: {  	_ =	shalt  }
0x41: {  	_ =	shalt  }
0x42: {  	_ =	shalt  }
0x43: {  	_ =	shalt  }
0x44: {  	_ =	shalt  }
0x45: {  	_ =	shalt  }
0x46: {  	_ =	shalt  }
0x47: {  	_ =	shalt  }
0x48: {  	_ =	shalt  }
0x49: {  	_ =	shalt  }
0x4a: {  	_ =	shalt  }
0x4b: {  	_ =	shalt  }
0x4c: {  	_ =	shalt  }
0x4d: {  	_ =	shalt  }
0x4e: {  	_ =	shalt  }
0x4f: {  	_ =	shalt  }
0x50: {  	_ =	shalt  }
0x51: {  	_ =	shalt  }
0x52: {  	_ =	shalt  }
0x53: {  	_ =	shalt  }
0x54: {  	_ =	shalt  }
0x55: {  	_ =	shalt  }
0x56: {  	_ =	shalt  }
0x57: {  	_ =	shalt  }
0x58: {  	_ =	shalt  }
0x59: {  	_ =	shalt  }
0x5a: {  	_ =	shalt  }
0x5b: {  	_ =	shalt  }
0x5c: {  	_ =	shalt  }
0x5d: {  	_ =	shalt  }
0x5e: {  	_ =	shalt  }
0x5f: {  	_ =	shalt  }
0x60: {  	_ =	shalt  }
0x61: {  	_ =	shalt  }
0x62: {  	_ =	shalt  }
0x63: {  	_ =	shalt  }
0x64: {  	_ =	shalt  }
0x65: {  	_ =	shalt  }
0x66: {  	_ =	shalt  }
0x67: {  	_ =	shalt  }
0x68: {  	_ =	shalt  }
0x69: {  	_ =	shalt  }
0x6a: {  	_ =	shalt  }
0x6b: {  	_ =	shalt  }
0x6c: {  	_ =	shalt  }
0x6d: {  	_ =	shalt  }
0x6e: {  	_ =	shalt  }
0x6f: {  	_ =	shalt  }
0x70: {  	_ =	shalt  }
0x71: {  	_ =	shalt  }
0x72: {  	_ =	shalt  }
0x73: {  	_ =	shalt  }
0x74: {  	_ =	shalt  }
0x75: {  	_ =	shalt  }
0x76: {  	_ =	shalt  }
0x77: {  	_ =	shalt  }
0x78: {  	_ =	shalt  }
0x79: {  	_ =	shalt  }
0x7a: {  	_ =	shalt  }
0x7b: {  	_ =	shalt  }
0x7c: {  	_ =	shalt  }
0x7d: {  	_ =	shalt  }
0x7e: {  	_ =	shalt  }
0x7f: {  	_ =	shalt  }
0x80: {  	_ =	shalt  }
0x81: {  	_ =	shalt  }
0x82: {  	_ =	shalt  }
0x83: {  	_ =	shalt  }
0x84: {  	_ =	shalt  }
0x85: {  	_ =	shalt  }
0x86: {  	_ =	shalt  }
0x87: {  	_ =	shalt  }
.Lfunc_end0:
.L_simem_size_0:
called_computation.3_lowered:
.L_overlay_start_0:
0x88: {  	s2 =	sld [smem:$0x3FD9]  }
0x89: {  	s3 =	sld [smem:$0x3FFE];
	_ =	sdelay $0x1  }
0x8a: {  	s1 =	srdreg.scid  }
0x8b: {  	s0 =	sand.u32 $0x1, s1  }
0x8c: {  	s17 =	sshll.u32 s0, $0xA;
	s2 =	sadd.s32 s3, s2  }
0x8d: {  	s2 =	sadd.s32 s2, s17  }
0x8e: {  	[smem:$0x3FC0] =	sst s2  }
0x8f: {  	_ = 	snop  }
0x90: {  	s2 =	sld [smem:$0x3FD0];
	(tm) =	ssettm $0x1  }
0x91: {  	s18 =	sld [smem:$0x3FFB];
	_ =	sdelay $0x3  }
0x92: {  	_ =	strace s18  }
0x93: {  	s3 =	sld [smem:$0x3FFC];
	_ =	sdelay $0x3  }
0x94: {  	_ =	strace s3  }
0x95: {  	s3 =	sld [smem:$0x3FFD];
	_ =	sdelay $0x3  }
0x96: {  	_ =	strace s3  }
0x97: {  	_ =	strace $0x8FFFFFFF  }
0x98: {  	s19 =	sld [smem:$0x3FDB];
	_ =	sdelay $0x1  }
0x99: {  	s4 =	simm.s32 $_scs_section_size  }
0x9a: {  	s5 =	simm.s32 $_size__tile_overlayer_lowered;
	s6 =	simm.s32 $_tile_overlayer_lowered  }
0x9b: {  	s22 =	simm.s32 $0x1BFF;
	s21 =	sshll.u32 s6, $0x1;
	s3 =	sadd.s32 s4, s19  }
0x9c: {  	s7 =	simm.s32 $0x0;
	s20 =	sshll.u32 s5, $0x1;
	s5 =	sadd.s32 s21, s3  }
0x9d: {  	[timem:s7], [sflag:s22] =	dma.local [hbm:s5], s20  }
0x9e: {  	_ =	swait.ge [sflag:s22], s20  }
0x9f: {  	s4 =	ssub.s32 $0x0, s20;
	[sflag:s22] =	ssyncset.done $0x0  }
0xa0: {  	[sflag:s22] =	ssyncadd.s32 s4;
	_ =	sdelay $0x1  }
0xa1: {  	s23 =	simm.s32 $0x1B8B  }
0xa2: {  	_ =	swait.ge [sflag:s23], $0x1  }
0xa3: {  	[sflag:s23] =	ssyncset.done $0x0  }
0xa4: {  	s25 =	simm.s32 $0x1B8E;
	s24 =	sld [smem:$0x3FFE];
	[sflag:s23] =	ssyncadd.s32 $0xFFFFFFFF  }
0xa5: {  	s26 =	simm.s32 $execute0_lowered;
	[smem:$0x3FD2] =	sst s25  }
0xa6: {  	s5 =	sshll.u32 s26, $0x1;
	_ =	strace $0x8000004F;
	[dreg:$0x1] =	wrdreg $0xFFFFFFFF  }
0xa7: {  	s28 =	simm.s32 $_size_execute0_lowered;
	s3 =	sadd.s32 s3, s5;
	[dreg:$0x0] =	wrdreg $0x0  }
0xa8: {  	s5 =	sshll.u32 s28, $0x1;
	[dreg:$0x2] =	wrdreg s3  }
0xa9: {  	[dreg:$0x3] =	wrdreg s5  }
0xaa: {  	[dreg:$0x4] =	wrdreg $0xC0  }
0xab: {  	_ =	task [dreg:s7], $0x5FFFF  }
0xac: {  	[dreg:$0x1] =	wrdreg $0xFFFFFFFF  }
0xad: {  	[dreg:$0x0] =	wrdreg $0x60  }
0xae: {  	[dreg:$0x2] =	wrdreg s2  }
0xaf: {  	[dreg:$0x3] =	wrdreg s24  }
0xb0: {  	[dreg:$0x4] =	wrdreg $0x90000  }
0xb1: {  	[dreg:$0x5] =	wrdreg $0x9  }
0xb2: {  	_ =	task.clear_ibuf [dreg:s7], $0x6FFFF;
	_ =	strace $0x9000004F  }
0xb3: {  	s29 =	simm.s32 $0x9;
	_ =	strace $0x80000051  }
0xb4: {  	_ =	swait.ge [sflag:s29], $0x1  }
0xb5: {  	[sflag:s29] =	ssyncadd.s32 $0xFFFFFFFF  }
0xb6: {  	_ =	strace $0x90000051  }
0xb7: {  	_ =	sfence  }
0xb8: {  	s30 =	sld [smem:$0x0];
	_ =	sdelay $0x2  }
0xb9: {  	s31 =	sshll.u32 s1, $0xD;
	s1 =	sshrl.u32 s1, $0x2  }
0xba: {  	s3 =	sand.u32 $0x4000, s31;
	s1 =	sadd.s32 s1, s30  }
0xbb: {  	s0 =	sor.u32 s3, s0;
	s1 =	sshll.u32 s1, $0x11  }
0xbc: {  	s0 =	sor.u32 s1, s0  }
0xbd: {  	s0 =	sadd.s32 $0x8F2B, s0  }
0xbe: {  	[sflag:s0] =	ssyncadd.remote.s32 $0x1  }
0xbf: {  	_ =	sfence.sel $0xFFFF  }
0xc0: {  	[dreg:$0x0] =	wrdreg $0xFFFFFFFF;
	(pc) =	sbr.abs _section_cstart, $3  }
0xc1: {  	[dreg:$0x1] =	wrdreg $0xFFFFFFFF  }
0xc2: {  	_ =	task.clear_ibuf [dreg:s7], $0x2FFFF;
	_ =	strace $0x9FFFFFFF  }
0xc3: {  	(tm) =	ssettm $0x7FFFFFFF  }
tec
execute0_lowered:
.L_overlay_start_1:
0x0: {  	(tag) =	ssettag $0x1  }
0x1: {  	s1 =	rddreg [dreg:$0x0]  }
0x2: {  	s6 =	rddreg [dreg:$0x1]  }
0x3: {  	s2 =	rddreg [dreg:$0x2];
	s4 =	srdreg.scid  }
0x4: {  	s0 =	rddreg [dreg:$0x3];
	s3 =	simm.s32 $0x0;
	s7 =	sand.u32 $0x1, s4  }
0x5: {  	[smem:$0x7FF] =	sst s3;
	s5 =	smul.u32 $0x5000, s7  }
0x6: {  	s4 =	stileid.u32;
	s8 =	smul.u32 $0x28000, s7  }
0x7: {  	s14 =	simm.s32 $0x5000;
	_ =	strace $0x80000050;
	s10 =	smul.u32 $0x50000, s4  }
0x8: {  	s30 =	ssub.s32 $0x2, s7;
	s11 =	sshll.u32 s4, $0x6;
	s12 =	smul.u32 $0x500, s4  }
0x9: {  	s16 =	smul.u32 $0x2800, s4;
	s7 =	sshrl.u32 s30, $0x1;
	s9 =	sadd.s32 s5, s6  }
0xa: {  	s5 =	sadd.s32 $0x67000, s6;
	s8 =	sadd.s32 s8, s6;
	s10 =	sshrl.u32 s10, $0x2  }
0xb: {  	s7 =	ssub.s32 s30, s7;
	s6 =	sor.u32 $0x1C01, s11;
	s10 =	sadd.s32 s10, s2  }
0xc: {  	s31 =	sadd.s32 $0xD000, s9;
	s13 =	sadd.s32 $0x2A00, s9;
	s15 =	sadd.s32 $0x69800, s8  }
0xd: {  	s7 =	smax.u32 s7, $0x1;
	s9 =	simm.s32 $0x1;
	s8 =	sshrl.u32 s10, $0x3  }
0xe: {  	s10 =	sadd.s32 s12, s31;
	s11 =	sadd.s32 s12, s13;
	s12 =	simm.s32 $0x2800  }
0xf: {  	s13 =	simm.s32 $0x80;
	s15 =	sadd.s32 s16, s15;
	s16 =	simm.s32 $0x0  }
.LBB2_1:
0x10: {  	[spmem:s8], [sflag:s6] =	dma.local [hbm:s5], $0x2800  }
0x11: {  	_ =	swait.ge [sflag:s9], $0x2800  }
0x12: {  	[sflag:s9] =	ssyncset.done $0x0  }
0x13: {  	[sflag:s9] =	ssyncadd.s32 $0xFFFFD800  }
0x14: {  	[tilespmem:s3], [sflag:$0x1] =	stream.linear.gather [hbm4b:s10+s3], $0x2780, $0x38;
	[tilespmem:$0x1D000] =	vst v63  }
0x15: {  	_ =	swait.ge [sflag:s9], $0x2780  }
0x16: {  	[sflag:s9] =	ssyncset.done $0x0  }
0x17: {  	[sflag:s9] =	ssyncadd.s32 $0xFFFFD880  }
0x18: {  	[tilespmem:s12], [sflag:$0x1] =	stream.linear.gather [hbm4b:s11+s3], $0x2780, $0x38;
	[tilespmem:$0x1D000] =	vst v63  }
0x19: {  	_ =	swait.ge [sflag:s9], $0x2780  }
0x1a: {  	[sflag:s9] =	ssyncset.done $0x0  }
0x1b: {  	[sflag:s9] =	ssyncadd.s32 $0xFFFFD880  }
0x1c: {  	s17 =	simm.s32 $0x0;
	[bflag:$0x0] =	sbarrier.arrive $0xFFFF  }
0x1d: {  	[tilespmem:s14], [sflag:$0x1] =	stream.indirect.gather [hbm4b:s1+s13], $0x80, s17, s13, $0xb8;
	[tilespmem:$0x1D000] =	vst v63  }
0x1e: {  	_ =	swait.ge [sflag:s9], $0x4000  }
0x1f: {  	[sflag:s9] =	ssyncset.done $0x0  }
0x20: {  	s31 =	simm.s32 $0x2800;
	[sflag:s9] =	ssyncadd.s32 $0xFFFFC000  }
0x21: {  	[spmem:s2] =	stream.indirect.scatter.add.f32 [tilespmem:s14], [sflag:$0x1], $0x80, s31, s13, $0xb8;
	[tilespmem:$0x1D000] =	vst v63  }
0x22: {  	_ =	swait.ge [sflag:s9], $0x4000  }
0x23: {  	s18 =	simm.s32 $0x400;
	s17 =	simm.s32 $0x200;
	[sflag:s9] =	ssyncset.done $0x0  }
.LBB2_2:
0x24: {  	s19 =	sshra.s32 s17, $0x2  }
0x25: {  	[sflag:s9] =	ssyncadd.s32 $0xFFFFC000;
	s17 =	smov.u32 s18;
	s20 =	sadd.s32 $0x200, s18  }
0x26: {  	[tilespmem:s14], [sflag:$0x1] =	stream.indirect.gather [hbm4b:s1+s13], $0x80, s19, s13, $0xb8;
	[tilespmem:$0x1D000] =	vst v63  }
0x27: {  	p0 =	sne.s32 s18, $0x9C00;
	_ =	swait.ge [sflag:s9], $0x4000  }
.Ltmp0:
0x28: {  	[sflag:s9] =	ssyncset.done $0x0;
	(pc) =	sbr.rel @p0 .LBB2_2-.Ltmp0, $4  }
0x29: {  	s18 =	sadd.s32 $0x2800, s19;
	[sflag:s9] =	ssyncadd.s32 $0xFFFFC000  }
0x2a: {  	[spmem:s2] =	stream.indirect.scatter.add.f32 [tilespmem:s14], [sflag:$0x1], $0x80, s18, s13, $0xb8;
	[tilespmem:$0x1D000] =	vst v63  }
0x2b: {  	_ =	swait.ge [sflag:s9], $0x4000  }
0x2c: {  	s18 =	smov.u32 s20;
	[sflag:s9] =	ssyncset.done $0x0  }
0x2d: {  	s17 =	sshra.s32 s17, $0x2;
	[sflag:s9] =	ssyncadd.s32 $0xFFFFC000  }
0x2e: {  	[tilespmem:s14], [sflag:$0x1] =	stream.indirect.gather [hbm4b:s1+s13], $0x80, s17, s13, $0xb8;
	[tilespmem:$0x1D000] =	vst v63  }
0x2f: {  	_ =	swait.ge [sflag:s9], $0x4000  }
0x30: {  	[sflag:s9] =	ssyncset.done $0x0  }
0x31: {  	s17 =	sadd.s32 $0x2800, s17;
	[sflag:s9] =	ssyncadd.s32 $0xFFFFC000  }
0x32: {  	[spmem:s2] =	stream.indirect.scatter.add.f32 [tilespmem:s14], [sflag:$0x1], $0x80, s17, s13, $0xb8;
	[tilespmem:$0x1D000] =	vst v63  }
0x33: {  	_ =	swait.ge [sflag:s9], $0x4000  }
0x34: {  	s16 =	sadd.s32 $0x1, s16;
	[sflag:s9] =	ssyncset.done $0x0  }
0x35: {  	p0 =	sne.s32 s16, s7;
	[sflag:s9] =	ssyncadd.s32 $0xFFFFC000  }
.Ltmp1:
0x36: {  	[bflag:$0x0] =	sbarrier.arrive $0xFFFF;
	(pc) =	sbr.rel @p0 .LBB2_1-.Ltmp1, $4  }
0x37: {  	[hbm:s15], [sflag:s6] =	dma.local [spmem:s8], $0x2800  }
0x38: {  	_ =	swait.ge [sflag:s9], $0x2800  }
0x39: {  	[sflag:s9] =	ssyncset.done $0x0  }
0x3a: {  	[sflag:s9] =	ssyncadd.s32 $0xFFFFD800  }
0x3b: {  	_ =	sfence.sel $0x180000  }
0x3c: {  	[bflag:$0x0] =	sbarrier.arrive $0xFFFF  }
0x3d: {  	p0 =	sne.s32 s4, $0x0;
	_ =	strace $0x90000050  }
0x3e: {  	s0 =	sadd.s32 @!p0 $0x100000, s0;
	[bflag:$0x2] =	sbarrier.arrive $0xFFFF  }
0x3f: {  	[sflag:s0] =	ssyncadd.tile.s32 @!p0 $0x1;
	_ =	shalt  }
.Lfunc_end2:
_tile_overlayer_lowered:
.L_overlay_start_2:
0x40: {  	(tag) =	ssettag $0x2  }
0x41: {  	s0 =	rddreg [dreg:$0x0];
	s2 =	stileid.u32  }
0x42: {  	s1 =	rddreg [dreg:$0x1];
	p0 =	sne.s32 s2, $0x0  }
0x43: {  	s3 =	rddreg [dreg:$0x2];
	[bflag:$0x3] =	sbarrier.arrive $0xFFFF;
	s2 =	simm.s32 @!p0 $0x1C01  }
0x44: {  	[timem:s3], [sflag:s2] =	dma.local @!p0 [hbm:s0], s1  }
0x45: {  	s0 =	simm.s32 @!p0 $0x1  }
0x46: {  	_ =	swait.ge @!p0 [sflag:s0], s1  }
0x47: {  	s1 =	ssub.s32 @!p0 $0x0, s1;
	[sflag:s0] =	ssyncset.done @!p0 $0x0  }
0x48: {  	[sflag:s0] =	ssyncadd.s32 @!p0 s1  }
0x49: {  	[bflag:$0x3] =	sbarrier.arrive $0xFFFF  }
0x4a: {  	_ =	shalt  }

</sc_bundles>
